<compile_context>
chip_gen: v7x
topology: tpu7x:2x2x1
jax: 0.10.2.dev20260603
libtpu: 0.0.44.dev20260713+nightly
codegen_flags: <defaults>
</compile_context>

<pallas_src>
import jax
import jax.numpy as jnp
from jax import lax
from jax.experimental import pallas as pl
from jax.experimental.pallas import tpu as pltpu
from jax.experimental.pallas import tpu_sc as plsc

NN = 10000
NE = 320000
NG = 64
DI = 128
DH = 16

NC = 2
NS = 16
NW = NC * NS
K = 128
CH = 79
NCHUNK = NE // K
PADN = NN + 112
RPT = PADN // NS


def _sc_agg(ei, y, compute_deg):
    mesh = plsc.VectorSubcoreMesh(
        core_axis_name="c", subcore_axis_name="s", num_cores=NC,
        num_subcores=NS)

    out_type = [jax.ShapeDtypeStruct((NC, PADN, DH), jnp.float32)]
    scratch = {
        "ei_v": pltpu.VMEM((CH, 2, K), jnp.int32),
        "rows_v": pltpu.VMEM((2, K, DH), jnp.float32),
        "stage_v": pltpu.VMEM((RPT, DH), jnp.float32),
        "acc_sh": pltpu.VMEM_SHARED((PADN, DH), jnp.float32),
        "y_sh": pltpu.VMEM_SHARED((PADN, DH), jnp.float32),
        "sem": pltpu.SemaphoreType.DMA,
        "sem_s": pltpu.SemaphoreType.DMA,
    }
    if compute_deg:
        out_type.append(jax.ShapeDtypeStruct((NC, PADN, DH), jnp.float32))
        scratch["ones_v"] = pltpu.VMEM((K, DH), jnp.float32)
        scratch["deg_sh"] = pltpu.VMEM_SHARED((PADN, DH), jnp.float32)

    def body(ei_hbm, y_hbm, *rest_in, ei_v, rows_v, stage_v, acc_sh, y_sh,
             sem, sem_s, ones_v=None, deg_sh=None):
        if compute_deg:
            ones_hbm, *outs = rest_in
        else:
            outs = rest_in
        if compute_deg:
            acc_out, deg_out = outs
        else:
            (acc_out,) = outs
        c = lax.axis_index("c")
        s = lax.axis_index("s")
        wid = c * NS + s

        def zrow(i, _):
            stage_v[i, :] = jnp.zeros((DH,), jnp.float32)
            return 0
        lax.fori_loop(0, RPT, zrow, 0)
        pltpu.sync_copy(stage_v, acc_sh.at[pl.ds(s * RPT, RPT)])
        if compute_deg:
            pltpu.sync_copy(stage_v, deg_sh.at[pl.ds(s * RPT, RPT)])
            pltpu.sync_copy(ones_hbm, ones_v)

        pltpu.sync_copy(ei_hbm.at[pl.ds(wid * CH, CH)], ei_v)

        @pl.when(s == 0)
        def _stage_y():
            pltpu.sync_copy(y_hbm, y_sh.at[pl.ds(0, y_hbm.shape[0])])

        plsc.subcore_barrier()

        def _wait_sc(j_idx):
            pltpu.make_async_copy(
                rows_v.at[0], acc_sh.at[ei_v.at[j_idx, 1]], sem_s).wait()
            if compute_deg:
                pltpu.make_async_copy(
                    ones_v, deg_sh.at[ei_v.at[j_idx, 1]], sem_s).wait()

        pltpu.async_copy(y_sh.at[ei_v.at[0, 0]], rows_v.at[0], sem)

        def chunk(j, _):
            pltpu.make_async_copy(
                y_sh.at[ei_v.at[0, 0]], rows_v.at[0], sem).wait()
            pltpu.async_copy(rows_v.at[lax.rem(j, 2)],
                             acc_sh.at[ei_v.at[j, 1]], sem_s, add=True)
            if compute_deg:
                pltpu.async_copy(ones_v, deg_sh.at[ei_v.at[j, 1]],
                                 sem_s, add=True)

            @pl.when(j + 1 < CH)
            def _prefetch():
                @pl.when(j >= 1)
                def _drain_prev():
                    _wait_sc(j - 1)
                pltpu.async_copy(
                    y_sh.at[ei_v.at[j + 1, 0]],
                    rows_v.at[lax.rem(j + 1, 2)], sem)
            return 0
        lax.fori_loop(0, CH, chunk, 0)
        _wait_sc(CH - 2)
        _wait_sc(CH - 1)

        plsc.subcore_barrier()
        sl = pl.ds(s * RPT, RPT)
        pltpu.sync_copy(acc_sh.at[sl], acc_out.at[c, sl])
        if compute_deg:
            pltpu.sync_copy(deg_sh.at[sl], deg_out.at[c, sl])

    f = pl.kernel(body, out_type=out_type, mesh=mesh,
                  scratch_types=scratch,
                  compiler_params=pltpu.CompilerParams(
                      use_tc_tiling_on_sc=False))
    if compute_deg:
        return f(ei, y, jnp.ones((K, DH), jnp.float32))
    return f(ei, y)



def _blockdiag(w_ref):
    w8 = jnp.concatenate([w_ref[...]] * 8, axis=0)
    w88 = jnp.concatenate([w8] * 8, axis=1)
    r = lax.broadcasted_iota(jnp.int32, (8 * DH, 8 * DH), 0) // DH
    c = lax.broadcasted_iota(jnp.int32, (8 * DH, 8 * DH), 1) // DH
    return jnp.where(r == c, w88, 0.0)


def _tile_bias(b_ref):
    return jnp.concatenate([b_ref[...]] * 8, axis=1)


def _tc_in(x, W1):
    def body(x_ref, w_ref, o_ref):
        x3 = jnp.reshape(x_ref[...], (NN // 8, 8, DI))
        w = w_ref[...]
        parts = []
        for q in range(8):
            xq = jnp.reshape(x3[:, q:q + 1, :], (NN // 8, DI))
            parts.append(jnp.dot(xq, w,
                                 preferred_element_type=jnp.float32))
        o_ref[...] = jnp.concatenate(parts, axis=1)
    return pl.pallas_call(
        body,
        out_shape=jax.ShapeDtypeStruct((NN // 8, 8 * DH), jnp.float32),
    )(x, W1)


PADR = PADN // 8


def _tc_mid(agg, deg, b1, W2):
    def body(a_ref, d_ref, b_ref, w_ref, o_ref):
        dg = jnp.maximum(d_ref[0] + d_ref[1], 1.0)
        h = (a_ref[0] + a_ref[1]) / dg + _tile_bias(b_ref)
        h = jnp.maximum(h, 0.0)
        o_ref[...] = jnp.dot(h, _blockdiag(w_ref),
                             preferred_element_type=jnp.float32)
    return pl.pallas_call(
        body,
        out_shape=jax.ShapeDtypeStruct((PADR, 8 * DH), jnp.float32),
    )(agg, deg, b1, W2)


def _tc_out(agg, deg, b2, batchq, fc_W, fc_b):
    def body(a_ref, d_ref, b_ref, bat_ref, w_ref, fb_ref, o_ref):
        dg = jnp.maximum(d_ref[0] + d_ref[1], 1.0)
        h = (a_ref[0] + a_ref[1]) / dg + _tile_bias(b_ref)
        h = jnp.maximum(h, 0.0)
        gids = lax.broadcasted_iota(jnp.int32, (NG, PADR), 0)
        sums = jnp.zeros((NG, DH), jnp.float32)
        cnts = jnp.zeros((NG, DH), jnp.float32)
        ones = jnp.ones((PADR, DH), jnp.float32)
        for q in range(8):
            oh = jnp.where(bat_ref[q:q + 1, :] == gids, 1.0, 0.0)
            hq = h[:, q * DH:(q + 1) * DH]
            sums = sums + lax.dot_general(
                oh, hq, (((1,), (0,)), ((), ())),
                preferred_element_type=jnp.float32)
            cnts = cnts + lax.dot_general(
                oh, ones, (((1,), (0,)), ((), ())),
                preferred_element_type=jnp.float32)
        pooled = sums / jnp.maximum(cnts, 1.0)
        o_ref[...] = jnp.dot(pooled, w_ref[...],
                             preferred_element_type=jnp.float32) + fb_ref[...]
    return pl.pallas_call(
        body,
        out_shape=jax.ShapeDtypeStruct((NG, 1), jnp.float32),
    )(agg, deg, b2, batchq, fc_W, fc_b)


def kernel(x, edge_index, batch, W1, b1, W2, b2, fc_W, fc_b):
    ei = jnp.transpose(
        edge_index.astype(jnp.int32).reshape(2, NCHUNK, K), (1, 0, 2))
    ei = jnp.pad(ei, ((0, NW * CH - NCHUNK), (0, 0), (0, 0)),
                 constant_values=NN)
    batchq = jnp.transpose(jnp.concatenate(
        [batch.astype(jnp.int32),
         jnp.full((PADN - NN,), -1, jnp.int32)]).reshape(PADR, 8))
    b1r = b1.reshape(1, DH)
    b2r = b2.reshape(1, DH)
    fbr = fc_b.reshape(1, 1)

    y1 = _tc_in(x, W1).reshape(NN, DH)
    agg1, deg = _sc_agg(ei, y1, compute_deg=True)
    agg1t = agg1.reshape(NC, PADR, 8 * DH)
    degt = deg.reshape(NC, PADR, 8 * DH)
    y2 = _tc_mid(agg1t, degt, b1r, W2).reshape(PADN, DH)
    (agg2,) = _sc_agg(ei, y2, compute_deg=False)
    out = _tc_out(agg2.reshape(NC, PADR, 8 * DH), degt, b2r, batchq,
                  fc_W, fbr)
    return out

# --- scband reference (transcript-rebuilt; emitter-appended) ---
"""Pipeline reference for scband-base-graph-network-16423954940723 (READ-ONLY COPY).

The authoritative reference and input builder live on the scoring server;
editing this copy changes nothing except your own understanding.
"""

import jax, jax.numpy as jnp
import numpy as np

N_NODES = 10000
N_EDGES = 320000
N_GRAPHS = 64
D_IN = 128
D_HID = 16
D_OUT = 1

def setup_inputs(seed: int = 0) -> dict:
    key = jax.random.key(seed)
    k1, k2, k3, k4, k5, k6, k7, k8 = jax.random.split(key, 8)
    x = jax.random.normal(k1, (N_NODES, D_IN), dtype=jnp.float32)
    edge_index = jax.random.randint(k2, (2, N_EDGES), 0, N_NODES, dtype=jnp.int64)
    batch = jnp.sort(jax.random.randint(k3, (N_NODES,), 0, N_GRAPHS, dtype=jnp.int64))
    # Learned parameters: 2 message-passing layers + final fc (per init_kwargs)
    W1 = jax.random.normal(k4, (D_IN, D_HID), dtype=jnp.float32) * (1.0 / np.sqrt(D_IN))
    b1 = jnp.zeros((D_HID,), dtype=jnp.float32)
    W2 = jax.random.normal(k5, (D_HID, D_HID), dtype=jnp.float32) * (1.0 / np.sqrt(D_HID))
    b2 = jnp.zeros((D_HID,), dtype=jnp.float32)
    fc_W = jax.random.normal(k6, (D_HID, D_OUT), dtype=jnp.float32) * (1.0 / np.sqrt(D_HID))
    fc_b = jnp.zeros((D_OUT,), dtype=jnp.float32)
    return {"x": x, "edge_index": edge_index, "batch": batch,
            "W1": W1, "b1": b1, "W2": W2, "b2": b2, "fc_W": fc_W, "fc_b": fc_b}

def _conv(x, edge_index, W, b):
    # mean-aggregation message passing: gather messages from src, scatter-add to dst, normalize by in-degree, linear transform
    src = edge_index[0]
    dst = edge_index[1]
    msgs = jnp.take(x, src, axis=0)
    agg = jax.ops.segment_sum(msgs, dst, num_segments=N_NODES)
    deg = jax.ops.segment_sum(jnp.ones((msgs.shape[0],), dtype=x.dtype), dst, num_segments=N_NODES)
    agg = agg / jnp.maximum(deg, 1.0)[:, None]
    return agg @ W + b

def reference(x, edge_index, batch, W1, b1, W2, b2, fc_W, fc_b):
    # Layer 1 + ReLU activation (dropout_proba=0.0 -> identity; batch_norm=False)
    h = _conv(x, edge_index, W1, b1)
    h = jax.nn.relu(h)
    # Layer 2 + ReLU
    h = _conv(h, edge_index, W2, b2)
    h = jax.nn.relu(h)
    # global_mean_pool over batch indices
    sums = jax.ops.segment_sum(h, batch, num_segments=N_GRAPHS)
    counts = jax.ops.segment_sum(jnp.ones((h.shape[0],), dtype=h.dtype), batch, num_segments=N_GRAPHS)
    pooled = sums / jnp.maximum(counts, 1.0)[:, None]
    # final fc
    out = pooled @ fc_W + fc_b
    return out

if __name__ == "__main__":
    import jax
    _d = setup_inputs()
    print(jax.jit(kernel)(*tuple(_d.values())))

</pallas_src>

<mosaic_0001>
#map = affine_map<(d0, d1) -> (0, 0, 0)>
#map1 = affine_map<(d0, d1) -> (0, 0)>
module attributes {stable_mosaic.version = 14 : i64} {
  func.func @body(%arg0: i32, %arg1: i32, %arg2: memref<2528x2x128xi32, #tpu.memory_space<hbm>>, %arg3: memref<10000x16xf32, #tpu.memory_space<hbm>>, %arg4: memref<128x16xf32, #tpu.memory_space<hbm>>, %arg5: memref<2x10112x16xf32, #tpu.memory_space<hbm>>, %arg6: memref<2x10112x16xf32, #tpu.memory_space<hbm>>, %arg7: memref<10112x16xf32, #tpu.memory_space<vmem_shared>>, %arg8: memref<10112x16xf32, #tpu.memory_space<vmem_shared>>, %arg9: memref<79x2x128xi32, #tpu.memory_space<vmem>>, %arg10: memref<128x16xf32, #tpu.memory_space<vmem>>, %arg11: memref<2x128x16xf32, #tpu.memory_space<vmem>>, %arg12: memref<!tpu.dma_semaphore, #tpu.memory_space<semaphore_mem>>, %arg13: memref<!tpu.dma_semaphore, #tpu.memory_space<semaphore_mem>>, %arg14: memref<632x16xf32, #tpu.memory_space<vmem>>, %arg15: memref<10112x16xf32, #tpu.memory_space<vmem_shared>>) attributes {dimension_semantics = [#tpu.dimension_semantics<core_parallel>, #tpu.dimension_semantics<subcore_parallel>], iteration_bounds = array<i64: 2, 16>, scalar_prefetch = 0 : i64, scratch_operands = 9 : i64, tpu.core_type = #tpu.core_type<sc_vector_subcore>, window_params = [{transform_indices = #map}, {transform_indices = #map1}, {transform_indices = #map1}, {transform_indices = #map}, {transform_indices = #map}]} {
    %mul3A = arith.constant 16 : i32
    %mul3A_0 = arith.muli %arg0, %mul3A : i32
    %add3A = arith.addi %mul3A_0, %arg1 : i32
    %scan3A = arith.constant 0 : i32
    %scan3A_1 = arith.constant 0 : i32
    %scan3A_2 = arith.constant 632 : i32
    %scan3A_3 = arith.addi %scan3A_1, %scan3A_2 : i32
    %scan3A_4 = arith.constant 1 : i32
    %scan3A_5 = scf.for %scan3A_78 = %scan3A_1 to %scan3A_3 step %scan3A_4 iter_args(%scan3A_79 = %scan3A) -> (i32)  : i32 {
      %broadcast_in_dim3A = arith.constant 0.000000e+00 : f32
      %broadcast_in_dim3A_80 = vector.broadcast %broadcast_in_dim3A : f32 to vector<16xf32>
      %swap3A = arith.index_cast %scan3A_78 : i32 to index
      %swap3A_81 = arith.constant 0 : index
      %swap3A_82 = tpu.vector_load %arg14[%swap3A, %swap3A_81] {strides = array<i32>} : memref<632x16xf32, #tpu.memory_space<vmem>>, vector<1x16xf32>,
      %swap3A_83 = vector.shape_cast %swap3A_82 : vector<1x16xf32> to vector<16xf32>
      %swap3A_84 = vector.shape_cast %broadcast_in_dim3A_80 : vector<16xf32> to vector<1x16xf32>
      tpu.vector_store %arg14[%swap3A, %swap3A_81], %swap3A_84 {strides = array<i32>} : memref<632x16xf32, #tpu.memory_space<vmem>>, vector<1x16xf32>,
      %scan3A_85 = arith.constant 0 : i32
      scf.yield %scan3A_85 : i32
    }
    %scan3A_6 = arith.constant 632 : i32
    %mul3A_7 = arith.constant 632 : i32
    %mul3A_8 = arith.muli %arg1, %mul3A_7 : i32
    "tpu.region"() ({
      %run_scoped3A = tpu.sem_alloc : memref<!tpu.dma_semaphore, #tpu.memory_space<semaphore_mem>>
      %dma_start3A_78 = arith.constant 0 : i32
      %dma_start3A_79 = tpu.memref_slice %arg7[%mul3A_8, %dma_start3A_78] : memref<10112x16xf32, #tpu.memory_space<vmem_shared>> -> memref<632x16xf32, #tpu.memory_space<vmem_shared>>
      %dma_start3A_80 = arith.constant 0 : i32
      %dma_start3A_81 = tpu.memref_slice %arg7[%mul3A_8, %dma_start3A_80] : memref<10112x16xf32, #tpu.memory_space<vmem_shared>> -> memref<632x16xf32, #tpu.memory_space<vmem_shared>>
      tpu.enqueue_dma source(%arg14 : memref<632x16xf32, #tpu.memory_space<vmem>>) target(%dma_start3A_81 : memref<632x16xf32, #tpu.memory_space<vmem_shared>>) target_semaphore(%run_scoped3A : memref<!tpu.dma_semaphore, #tpu.memory_space<semaphore_mem>>)
      %dma_wait3A_82 = arith.constant 0 : i32
      %dma_wait3A_83 = tpu.memref_slice %arg7[%mul3A_8, %dma_wait3A_82] : memref<10112x16xf32, #tpu.memory_space<vmem_shared>> -> memref<632x16xf32, #tpu.memory_space<vmem_shared>>
      %dma_wait3A_84 = arith.constant 0 : i32
      %dma_wait3A_85 = tpu.memref_slice %arg7[%mul3A_8, %dma_wait3A_84] : memref<10112x16xf32, #tpu.memory_space<vmem_shared>> -> memref<632x16xf32, #tpu.memory_space<vmem_shared>>
      tpu.wait_dma2 semaphore(%run_scoped3A : memref<!tpu.dma_semaphore, #tpu.memory_space<semaphore_mem>>) src(%arg14 : memref<632x16xf32, #tpu.memory_space<vmem>>) dst(%dma_wait3A_85 : memref<632x16xf32, #tpu.memory_space<vmem_shared>>)
      tpu.yield
    }) : () -> ()
    %mul3A_9 = arith.constant 632 : i32
    %mul3A_10 = arith.muli %arg1, %mul3A_9 : i32
    "tpu.region"() ({
      %run_scoped3A = tpu.sem_alloc : memref<!tpu.dma_semaphore, #tpu.memory_space<semaphore_mem>>
      %dma_start3A_78 = arith.constant 0 : i32
      %dma_start3A_79 = tpu.memref_slice %arg8[%mul3A_10, %dma_start3A_78] : memref<10112x16xf32, #tpu.memory_space<vmem_shared>> -> memref<632x16xf32, #tpu.memory_space<vmem_shared>>
      %dma_start3A_80 = arith.constant 0 : i32
      %dma_start3A_81 = tpu.memref_slice %arg8[%mul3A_10, %dma_start3A_80] : memref<10112x16xf32, #tpu.memory_space<vmem_shared>> -> memref<632x16xf32, #tpu.memory_space<vmem_shared>>
      tpu.enqueue_dma source(%arg14 : memref<632x16xf32, #tpu.memory_space<vmem>>) target(%dma_start3A_81 : memref<632x16xf32, #tpu.memory_space<vmem_shared>>) target_semaphore(%run_scoped3A : memref<!tpu.dma_semaphore, #tpu.memory_space<semaphore_mem>>)
      %dma_wait3A_82 = arith.constant 0 : i32
      %dma_wait3A_83 = tpu.memref_slice %arg8[%mul3A_10, %dma_wait3A_82] : memref<10112x16xf32, #tpu.memory_space<vmem_shared>> -> memref<632x16xf32, #tpu.memory_space<vmem_shared>>
      %dma_wait3A_84 = arith.constant 0 : i32
      %dma_wait3A_85 = tpu.memref_slice %arg8[%mul3A_10, %dma_wait3A_84] : memref<10112x16xf32, #tpu.memory_space<vmem_shared>> -> memref<632x16xf32, #tpu.memory_space<vmem_shared>>
      tpu.wait_dma2 semaphore(%run_scoped3A : memref<!tpu.dma_semaphore, #tpu.memory_space<semaphore_mem>>) src(%arg14 : memref<632x16xf32, #tpu.memory_space<vmem>>) dst(%dma_wait3A_85 : memref<632x16xf32, #tpu.memory_space<vmem_shared>>)
      tpu.yield
    }) : () -> ()
    "tpu.region"() ({
      %run_scoped3A = tpu.sem_alloc : memref<!tpu.dma_semaphore, #tpu.memory_space<semaphore_mem>>
      tpu.enqueue_dma source(%arg4 : memref<128x16xf32, #tpu.memory_space<hbm>>) target(%arg10 : memref<128x16xf32, #tpu.memory_space<vmem>>) target_semaphore(%run_scoped3A : memref<!tpu.dma_semaphore, #tpu.memory_space<semaphore_mem>>)
      tpu.wait_dma2 semaphore(%run_scoped3A : memref<!tpu.dma_semaphore, #tpu.memory_space<semaphore_mem>>) src(%arg4 : memref<128x16xf32, #tpu.memory_space<hbm>>) dst(%arg10 : memref<128x16xf32, #tpu.memory_space<vmem>>)
      tpu.yield
    }) : () -> ()
    %mul3A_11 = arith.constant 79 : i32
    %mul3A_12 = arith.muli %add3A, %mul3A_11 : i32
    "tpu.region"() ({
      %run_scoped3A = tpu.sem_alloc : memref<!tpu.dma_semaphore, #tpu.memory_space<semaphore_mem>>
      %dma_start3A_78 = arith.constant 0 : i32
      %dma_start3A_79 = arith.constant 0 : i32
      %dma_start3A_80 = tpu.memref_slice %arg2[%mul3A_12, %dma_start3A_78, %dma_start3A_79] : memref<2528x2x128xi32, #tpu.memory_space<hbm>> -> memref<79x2x128xi32, #tpu.memory_space<hbm>>
      %dma_start3A_81 = arith.constant 0 : i32
      %dma_start3A_82 = arith.constant 0 : i32
      %dma_start3A_83 = tpu.memref_slice %arg2[%mul3A_12, %dma_start3A_81, %dma_start3A_82] : memref<2528x2x128xi32, #tpu.memory_space<hbm>> -> memref<79x2x128xi32, #tpu.memory_space<hbm>>
      tpu.enqueue_dma source(%dma_start3A_83 : memref<79x2x128xi32, #tpu.memory_space<hbm>>) target(%arg9 : memref<79x2x128xi32, #tpu.memory_space<vmem>>) target_semaphore(%run_scoped3A : memref<!tpu.dma_semaphore, #tpu.memory_space<semaphore_mem>>)
      %dma_wait3A_84 = arith.constant 0 : i32
      %dma_wait3A_85 = arith.constant 0 : i32
      %dma_wait3A_86 = tpu.memref_slice %arg2[%mul3A_12, %dma_wait3A_84, %dma_wait3A_85] : memref<2528x2x128xi32, #tpu.memory_space<hbm>> -> memref<79x2x128xi32, #tpu.memory_space<hbm>>
      %dma_wait3A_87 = arith.constant 0 : i32
      %dma_wait3A_88 = arith.constant 0 : i32
      %dma_wait3A_89 = tpu.memref_slice %arg2[%mul3A_12, %dma_wait3A_87, %dma_wait3A_88] : memref<2528x2x128xi32, #tpu.memory_space<hbm>> -> memref<79x2x128xi32, #tpu.memory_space<hbm>>
      tpu.wait_dma2 semaphore(%run_scoped3A : memref<!tpu.dma_semaphore, #tpu.memory_space<semaphore_mem>>) src(%dma_wait3A_89 : memref<79x2x128xi32, #tpu.memory_space<hbm>>) dst(%arg9 : memref<79x2x128xi32, #tpu.memory_space<vmem>>)
      tpu.yield
    }) : () -> ()
    %eq3A = arith.constant 0 : i32
    %eq3A_13 = arith.cmpi eq, %arg1, %eq3A : i32
    %convert_element_type3A = arith.extui %eq3A_13 : i1 to i32
    %cond3A = arith.constant 0 : i32
    %cond3A_14 = arith.cmpi ne, %convert_element_type3A, %cond3A : i32
    scf.if %cond3A_14 {
      "tpu.region"() ({
        %run_scoped3A = tpu.sem_alloc : memref<!tpu.dma_semaphore, #tpu.memory_space<semaphore_mem>>
        %dma_start3A_78 = arith.constant 0 : i32
        %dma_start3A_79 = arith.constant 0 : i32
        %dma_start3A_80 = tpu.memref_slice %arg15[%dma_start3A_78, %dma_start3A_79] : memref<10112x16xf32, #tpu.memory_space<vmem_shared>> -> memref<10000x16xf32, #tpu.memory_space<vmem_shared>>
        tpu.enqueue_dma source(%arg3 : memref<10000x16xf32, #tpu.memory_space<hbm>>) target(%dma_start3A_80 : memref<10000x16xf32, #tpu.memory_space<vmem_shared>>) target_semaphore(%run_scoped3A : memref<!tpu.dma_semaphore, #tpu.memory_space<semaphore_mem>>)
        %dma_wait3A_81 = arith.constant 0 : i32
        %dma_wait3A_82 = arith.constant 0 : i32
        %dma_wait3A_83 = tpu.memref_slice %arg15[%dma_wait3A_81, %dma_wait3A_82] : memref<10112x16xf32, #tpu.memory_space<vmem_shared>> -> memref<10000x16xf32, #tpu.memory_space<vmem_shared>>
        tpu.wait_dma2 semaphore(%run_scoped3A : memref<!tpu.dma_semaphore, #tpu.memory_space<semaphore_mem>>) src(%arg3 : memref<10000x16xf32, #tpu.memory_space<hbm>>) dst(%dma_wait3A_83 : memref<10000x16xf32, #tpu.memory_space<vmem_shared>>)
        tpu.yield
      }) : () -> ()
    } else {
    }
    %barrier3A = arith.constant 0 : index
    tpu.barrier barrier_id(%barrier3A)
    %dma_start3A = arith.constant 0 : i32
    %dma_start3A_15 = arith.constant 0 : i32
    %dma_start3A_16 = arith.constant 0 : i32
    %dma_start3A_17 = arith.constant 0 : i32
    %dma_start3A_18 = arith.constant 0 : i32
    %dma_start3A_19 = tpu.memref_slice %arg11[%dma_start3A_16, %dma_start3A_17, %dma_start3A_18] : memref<2x128x16xf32, #tpu.memory_space<vmem>> -> memref<1x128x16xf32, #tpu.memory_space<vmem>>
    %dma_start3A_20 = tpu.memref_squeeze %dma_start3A_19 : memref<1x128x16xf32, #tpu.memory_space<vmem>> -> memref<128x16xf32, #tpu.memory_space<vmem>>
    %dma_start3A_21 = arith.constant 0 : i32
    %dma_start3A_22 = tpu.memref_slice %arg9[%dma_start3A, %dma_start3A_15, %dma_start3A_21] : memref<79x2x128xi32, #tpu.memory_space<vmem>> -> memref<1x1x128xi32, #tpu.memory_space<vmem>>
    %dma_start3A_23 = tpu.memref_squeeze %dma_start3A_22 : memref<1x1x128xi32, #tpu.memory_space<vmem>> -> memref<128xi32, #tpu.memory_space<vmem>>
    %dma_start3A_24 = arith.constant 0 : i32
    %dma_start3A_25 = arith.constant 0 : i32
    %dma_start3A_26 = tpu.memref_slice %arg15[%dma_start3A_24, %dma_start3A_25] : memref<10112x16xf32, #tpu.memory_space<vmem_shared>> -> memref<10112x16xf32, #tpu.memory_space<vmem_shared>>
    tpu.enqueue_indirect_dma source(%dma_start3A_26 : memref<10112x16xf32, #tpu.memory_space<vmem_shared>>) target(%dma_start3A_20 : memref<128x16xf32, #tpu.memory_space<vmem>>) offsets(%dma_start3A_23 : memref<128xi32, #tpu.memory_space<vmem>>) semaphore(%arg12 : memref<!tpu.dma_semaphore, #tpu.memory_space<semaphore_mem>>)
    %scan3A_27 = arith.constant 0 : i32
    %scan3A_28 = arith.constant 0 : i32
    %scan3A_29 = arith.constant 79 : i32
    %scan3A_30 = arith.addi %scan3A_28, %scan3A_29 : i32
    %scan3A_31 = arith.constant 1 : i32
    %scan3A_32 = scf.for %scan3A_78 = %scan3A_28 to %scan3A_30 step %scan3A_31 iter_args(%scan3A_79 = %scan3A_27) -> (i32)  : i32 {
      %dma_wait3A_80 = arith.constant 0 : i32
      %dma_wait3A_81 = arith.constant 0 : i32
      %dma_wait3A_82 = arith.constant 0 : i32
      %dma_wait3A_83 = arith.constant 0 : i32
      %dma_wait3A_84 = arith.constant 0 : i32
      %dma_wait3A_85 = tpu.memref_slice %arg11[%dma_wait3A_82, %dma_wait3A_83, %dma_wait3A_84] : memref<2x128x16xf32, #tpu.memory_space<vmem>> -> memref<1x128x16xf32, #tpu.memory_space<vmem>>
      %dma_wait3A_86 = tpu.memref_squeeze %dma_wait3A_85 : memref<1x128x16xf32, #tpu.memory_space<vmem>> -> memref<128x16xf32, #tpu.memory_space<vmem>>
      %dma_wait3A_87 = arith.constant 0 : i32
      %dma_wait3A_88 = tpu.memref_slice %arg9[%dma_wait3A_80, %dma_wait3A_81, %dma_wait3A_87] : memref<79x2x128xi32, #tpu.memory_space<vmem>> -> memref<1x1x128xi32, #tpu.memory_space<vmem>>
      %dma_wait3A_89 = tpu.memref_squeeze %dma_wait3A_88 : memref<1x1x128xi32, #tpu.memory_space<vmem>> -> memref<128xi32, #tpu.memory_space<vmem>>
      %dma_wait3A_90 = arith.constant 0 : i32
      %dma_wait3A_91 = arith.constant 0 : i32
      %dma_wait3A_92 = tpu.memref_slice %arg15[%dma_wait3A_90, %dma_wait3A_91] : memref<10112x16xf32, #tpu.memory_space<vmem_shared>> -> memref<10112x16xf32, #tpu.memory_space<vmem_shared>>
      tpu.wait_indirect_dma semaphore(%arg12 : memref<!tpu.dma_semaphore, #tpu.memory_space<semaphore_mem>>) src(%dma_wait3A_92 : memref<10112x16xf32, #tpu.memory_space<vmem_shared>>) dst(%dma_wait3A_86 : memref<128x16xf32, #tpu.memory_space<vmem>>)
      %rem3A = arith.constant 2 : i32
      %rem3A_93 = arith.remsi %scan3A_78, %rem3A : i32
      %dma_start3A_94 = arith.constant 1 : i32
      %dma_start3A_95 = arith.constant 0 : i32
      %dma_start3A_96 = arith.constant 0 : i32
      %dma_start3A_97 = tpu.memref_slice %arg11[%rem3A_93, %dma_start3A_95, %dma_start3A_96] : memref<2x128x16xf32, #tpu.memory_space<vmem>> -> memref<1x128x16xf32, #tpu.memory_space<vmem>>
      %dma_start3A_98 = tpu.memref_squeeze %dma_start3A_97 : memref<1x128x16xf32, #tpu.memory_space<vmem>> -> memref<128x16xf32, #tpu.memory_space<vmem>>
      %dma_start3A_99 = arith.constant 0 : i32
      %dma_start3A_100 = tpu.memref_slice %arg9[%scan3A_78, %dma_start3A_94, %dma_start3A_99] : memref<79x2x128xi32, #tpu.memory_space<vmem>> -> memref<1x1x128xi32, #tpu.memory_space<vmem>>
      %dma_start3A_101 = tpu.memref_squeeze %dma_start3A_100 : memref<1x1x128xi32, #tpu.memory_space<vmem>> -> memref<128xi32, #tpu.memory_space<vmem>>
      %dma_start3A_102 = arith.constant 0 : i32
      %dma_start3A_103 = arith.constant 0 : i32
      %dma_start3A_104 = tpu.memref_slice %arg7[%dma_start3A_102, %dma_start3A_103] : memref<10112x16xf32, #tpu.memory_space<vmem_shared>> -> memref<10112x16xf32, #tpu.memory_space<vmem_shared>>
      tpu.enqueue_indirect_dma source(%dma_start3A_98 : memref<128x16xf32, #tpu.memory_space<vmem>>) target(%dma_start3A_104 : memref<10112x16xf32, #tpu.memory_space<vmem_shared>>) offsets(%dma_start3A_101 : memref<128xi32, #tpu.memory_space<vmem>>) semaphore(%arg13 : memref<!tpu.dma_semaphore, #tpu.memory_space<semaphore_mem>>) {add = true}
      %dma_start3A_105 = arith.constant 1 : i32
      %dma_start3A_106 = arith.constant 0 : i32
      %dma_start3A_107 = tpu.memref_slice %arg9[%scan3A_78, %dma_start3A_105, %dma_start3A_106] : memref<79x2x128xi32, #tpu.memory_space<vmem>> -> memref<1x1x128xi32, #tpu.memory_space<vmem>>
      %dma_start3A_108 = tpu.memref_squeeze %dma_start3A_107 : memref<1x1x128xi32, #tpu.memory_space<vmem>> -> memref<128xi32, #tpu.memory_space<vmem>>
      %dma_start3A_109 = arith.constant 0 : i32
      %dma_start3A_110 = arith.constant 0 : i32
      %dma_start3A_111 = tpu.memref_slice %arg8[%dma_start3A_109, %dma_start3A_110] : memref<10112x16xf32, #tpu.memory_space<vmem_shared>> -> memref<10112x16xf32, #tpu.memory_space<vmem_shared>>
      tpu.enqueue_indirect_dma source(%arg10 : memref<128x16xf32, #tpu.memory_space<vmem>>) target(%dma_start3A_111 : memref<10112x16xf32, #tpu.memory_space<vmem_shared>>) offsets(%dma_start3A_108 : memref<128xi32, #tpu.memory_space<vmem>>) semaphore(%arg13 : memref<!tpu.dma_semaphore, #tpu.memory_space<semaphore_mem>>) {add = true}
      %add3A_112 = arith.constant 1 : i32
      %add3A_113 = arith.addi %scan3A_78, %add3A_112 : i32
      %lt3A = arith.constant 79 : i32
      %lt3A_114 = arith.cmpi slt, %add3A_113, %lt3A : i32
      %convert_element_type3A_115 = arith.extui %lt3A_114 : i1 to i32
      %cond3A_116 = arith.constant 0 : i32
      %cond3A_117 = arith.cmpi ne, %convert_element_type3A_115, %cond3A_116 : i32
      scf.if %cond3A_117 {
        %ge3A = arith.constant 1 : i32
        %ge3A_119 = arith.cmpi sge, %scan3A_78, %ge3A : i32
        %convert_element_type3A_120 = arith.extui %ge3A_119 : i1 to i32
        %cond3A_121 = arith.constant 0 : i32
        %cond3A_122 = arith.cmpi ne, %convert_element_type3A_120, %cond3A_121 : i32
        scf.if %cond3A_122 {
          %sub3A = arith.constant 1 : i32
          %sub3A_140 = arith.subi %scan3A_78, %sub3A : i32
          %dma_wait3A_141 = arith.constant 0 : i32
          %dma_wait3A_142 = arith.constant 1 : i32
          %dma_wait3A_143 = arith.constant 0 : i32
          %dma_wait3A_144 = arith.constant 0 : i32
          %dma_wait3A_145 = tpu.memref_slice %arg11[%dma_wait3A_141, %dma_wait3A_143, %dma_wait3A_144] : memref<2x128x16xf32, #tpu.memory_space<vmem>> -> memref<1x128x16xf32, #tpu.memory_space<vmem>>
          %dma_wait3A_146 = tpu.memref_squeeze %dma_wait3A_145 : memref<1x128x16xf32, #tpu.memory_space<vmem>> -> memref<128x16xf32, #tpu.memory_space<vmem>>
          %dma_wait3A_147 = arith.constant 0 : i32
          %dma_wait3A_148 = tpu.memref_slice %arg9[%sub3A_140, %dma_wait3A_142, %dma_wait3A_147] : memref<79x2x128xi32, #tpu.memory_space<vmem>> -> memref<1x1x128xi32, #tpu.memory_space<vmem>>
          %dma_wait3A_149 = tpu.memref_squeeze %dma_wait3A_148 : memref<1x1x128xi32, #tpu.memory_space<vmem>> -> memref<128xi32, #tpu.memory_space<vmem>>
          %dma_wait3A_150 = arith.constant 0 : i32
          %dma_wait3A_151 = arith.constant 0 : i32
          %dma_wait3A_152 = tpu.memref_slice %arg7[%dma_wait3A_150, %dma_wait3A_151] : memref<10112x16xf32, #tpu.memory_space<vmem_shared>> -> memref<10112x16xf32, #tpu.memory_space<vmem_shared>>
          tpu.wait_indirect_dma semaphore(%arg13 : memref<!tpu.dma_semaphore, #tpu.memory_space<semaphore_mem>>) src(%dma_wait3A_146 : memref<128x16xf32, #tpu.memory_space<vmem>>) dst(%dma_wait3A_152 : memref<10112x16xf32, #tpu.memory_space<vmem_shared>>)
          %dma_wait3A_153 = arith.constant 1 : i32
          %dma_wait3A_154 = arith.constant 0 : i32
          %dma_wait3A_155 = tpu.memref_slice %arg9[%sub3A_140, %dma_wait3A_153, %dma_wait3A_154] : memref<79x2x128xi32, #tpu.memory_space<vmem>> -> memref<1x1x128xi32, #tpu.memory_space<vmem>>
          %dma_wait3A_156 = tpu.memref_squeeze %dma_wait3A_155 : memref<1x1x128xi32, #tpu.memory_space<vmem>> -> memref<128xi32, #tpu.memory_space<vmem>>
          %dma_wait3A_157 = arith.constant 0 : i32
          %dma_wait3A_158 = arith.constant 0 : i32
          %dma_wait3A_159 = tpu.memref_slice %arg8[%dma_wait3A_157, %dma_wait3A_158] : memref<10112x16xf32, #tpu.memory_space<vmem_shared>> -> memref<10112x16xf32, #tpu.memory_space<vmem_shared>>
          tpu.wait_indirect_dma semaphore(%arg13 : memref<!tpu.dma_semaphore, #tpu.memory_space<semaphore_mem>>) src(%arg10 : memref<128x16xf32, #tpu.memory_space<vmem>>) dst(%dma_wait3A_159 : memref<10112x16xf32, #tpu.memory_space<vmem_shared>>)
        } else {
        }
        %add3A_123 = arith.constant 1 : i32
        %add3A_124 = arith.addi %scan3A_78, %add3A_123 : i32
        %add3A_125 = arith.constant 1 : i32
        %add3A_126 = arith.addi %scan3A_78, %add3A_125 : i32
        %rem3A_127 = arith.constant 2 : i32
        %rem3A_128 = arith.remsi %add3A_126, %rem3A_127 : i32
        %dma_start3A_129 = arith.constant 0 : i32
        %dma_start3A_130 = arith.constant 0 : i32
        %dma_start3A_131 = arith.constant 0 : i32
        %dma_start3A_132 = tpu.memref_slice %arg11[%rem3A_128, %dma_start3A_130, %dma_start3A_131] : memref<2x128x16xf32, #tpu.memory_space<vmem>> -> memref<1x128x16xf32, #tpu.memory_space<vmem>>
        %dma_start3A_133 = tpu.memref_squeeze %dma_start3A_132 : memref<1x128x16xf32, #tpu.memory_space<vmem>> -> memref<128x16xf32, #tpu.memory_space<vmem>>
        %dma_start3A_134 = arith.constant 0 : i32
        %dma_start3A_135 = tpu.memref_slice %arg9[%add3A_124, %dma_start3A_129, %dma_start3A_134] : memref<79x2x128xi32, #tpu.memory_space<vmem>> -> memref<1x1x128xi32, #tpu.memory_space<vmem>>
        %dma_start3A_136 = tpu.memref_squeeze %dma_start3A_135 : memref<1x1x128xi32, #tpu.memory_space<vmem>> -> memref<128xi32, #tpu.memory_space<vmem>>
        %dma_start3A_137 = arith.constant 0 : i32
        %dma_start3A_138 = arith.constant 0 : i32
        %dma_start3A_139 = tpu.memref_slice %arg15[%dma_start3A_137, %dma_start3A_138] : memref<10112x16xf32, #tpu.memory_space<vmem_shared>> -> memref<10112x16xf32, #tpu.memory_space<vmem_shared>>
        tpu.enqueue_indirect_dma source(%dma_start3A_139 : memref<10112x16xf32, #tpu.memory_space<vmem_shared>>) target(%dma_start3A_133 : memref<128x16xf32, #tpu.memory_space<vmem>>) offsets(%dma_start3A_136 : memref<128xi32, #tpu.memory_space<vmem>>) semaphore(%arg12 : memref<!tpu.dma_semaphore, #tpu.memory_space<semaphore_mem>>)
      } else {
      }
      %scan3A_118 = arith.constant 0 : i32
      scf.yield %scan3A_118 : i32
    }
    %scan3A_33 = arith.constant 79 : i32
    %dma_wait3A = arith.constant 0 : i32
    %dma_wait3A_34 = arith.constant 77 : i32
    %dma_wait3A_35 = arith.constant 1 : i32
    %dma_wait3A_36 = arith.constant 0 : i32
    %dma_wait3A_37 = arith.constant 0 : i32
    %dma_wait3A_38 = tpu.memref_slice %arg11[%dma_wait3A, %dma_wait3A_36, %dma_wait3A_37] : memref<2x128x16xf32, #tpu.memory_space<vmem>> -> memref<1x128x16xf32, #tpu.memory_space<vmem>>
    %dma_wait3A_39 = tpu.memref_squeeze %dma_wait3A_38 : memref<1x128x16xf32, #tpu.memory_space<vmem>> -> memref<128x16xf32, #tpu.memory_space<vmem>>
    %dma_wait3A_40 = arith.constant 0 : i32
    %dma_wait3A_41 = tpu.memref_slice %arg9[%dma_wait3A_34, %dma_wait3A_35, %dma_wait3A_40] : memref<79x2x128xi32, #tpu.memory_space<vmem>> -> memref<1x1x128xi32, #tpu.memory_space<vmem>>
    %dma_wait3A_42 = tpu.memref_squeeze %dma_wait3A_41 : memref<1x1x128xi32, #tpu.memory_space<vmem>> -> memref<128xi32, #tpu.memory_space<vmem>>
    %dma_wait3A_43 = arith.constant 0 : i32
    %dma_wait3A_44 = arith.constant 0 : i32
    %dma_wait3A_45 = tpu.memref_slice %arg7[%dma_wait3A_43, %dma_wait3A_44] : memref<10112x16xf32, #tpu.memory_space<vmem_shared>> -> memref<10112x16xf32, #tpu.memory_space<vmem_shared>>
    tpu.wait_indirect_dma semaphore(%arg13 : memref<!tpu.dma_semaphore, #tpu.memory_space<semaphore_mem>>) src(%dma_wait3A_39 : memref<128x16xf32, #tpu.memory_space<vmem>>) dst(%dma_wait3A_45 : memref<10112x16xf32, #tpu.memory_space<vmem_shared>>)
    %dma_wait3A_46 = arith.constant 77 : i32
    %dma_wait3A_47 = arith.constant 1 : i32
    %dma_wait3A_48 = arith.constant 0 : i32
    %dma_wait3A_49 = tpu.memref_slice %arg9[%dma_wait3A_46, %dma_wait3A_47, %dma_wait3A_48] : memref<79x2x128xi32, #tpu.memory_space<vmem>> -> memref<1x1x128xi32, #tpu.memory_space<vmem>>
    %dma_wait3A_50 = tpu.memref_squeeze %dma_wait3A_49 : memref<1x1x128xi32, #tpu.memory_space<vmem>> -> memref<128xi32, #tpu.memory_space<vmem>>
    %dma_wait3A_51 = arith.constant 0 : i32
    %dma_wait3A_52 = arith.constant 0 : i32
    %dma_wait3A_53 = tpu.memref_slice %arg8[%dma_wait3A_51, %dma_wait3A_52] : memref<10112x16xf32, #tpu.memory_space<vmem_shared>> -> memref<10112x16xf32, #tpu.memory_space<vmem_shared>>
    tpu.wait_indirect_dma semaphore(%arg13 : memref<!tpu.dma_semaphore, #tpu.memory_space<semaphore_mem>>) src(%arg10 : memref<128x16xf32, #tpu.memory_space<vmem>>) dst(%dma_wait3A_53 : memref<10112x16xf32, #tpu.memory_space<vmem_shared>>)
    %dma_wait3A_54 = arith.constant 0 : i32
    %dma_wait3A_55 = arith.constant 78 : i32
    %dma_wait3A_56 = arith.constant 1 : i32
    %dma_wait3A_57 = arith.constant 0 : i32
    %dma_wait3A_58 = arith.constant 0 : i32
    %dma_wait3A_59 = tpu.memref_slice %arg11[%dma_wait3A_54, %dma_wait3A_57, %dma_wait3A_58] : memref<2x128x16xf32, #tpu.memory_space<vmem>> -> memref<1x128x16xf32, #tpu.memory_space<vmem>>
    %dma_wait3A_60 = tpu.memref_squeeze %dma_wait3A_59 : memref<1x128x16xf32, #tpu.memory_space<vmem>> -> memref<128x16xf32, #tpu.memory_space<vmem>>
    %dma_wait3A_61 = arith.constant 0 : i32
    %dma_wait3A_62 = tpu.memref_slice %arg9[%dma_wait3A_55, %dma_wait3A_56, %dma_wait3A_61] : memref<79x2x128xi32, #tpu.memory_space<vmem>> -> memref<1x1x128xi32, #tpu.memory_space<vmem>>
    %dma_wait3A_63 = tpu.memref_squeeze %dma_wait3A_62 : memref<1x1x128xi32, #tpu.memory_space<vmem>> -> memref<128xi32, #tpu.memory_space<vmem>>
    %dma_wait3A_64 = arith.constant 0 : i32
    %dma_wait3A_65 = arith.constant 0 : i32
    %dma_wait3A_66 = tpu.memref_slice %arg7[%dma_wait3A_64, %dma_wait3A_65] : memref<10112x16xf32, #tpu.memory_space<vmem_shared>> -> memref<10112x16xf32, #tpu.memory_space<vmem_shared>>
    tpu.wait_indirect_dma semaphore(%arg13 : memref<!tpu.dma_semaphore, #tpu.memory_space<semaphore_mem>>) src(%dma_wait3A_60 : memref<128x16xf32, #tpu.memory_space<vmem>>) dst(%dma_wait3A_66 : memref<10112x16xf32, #tpu.memory_space<vmem_shared>>)
    %dma_wait3A_67 = arith.constant 78 : i32
    %dma_wait3A_68 = arith.constant 1 : i32
    %dma_wait3A_69 = arith.constant 0 : i32
    %dma_wait3A_70 = tpu.memref_slice %arg9[%dma_wait3A_67, %dma_wait3A_68, %dma_wait3A_69] : memref<79x2x128xi32, #tpu.memory_space<vmem>> -> memref<1x1x128xi32, #tpu.memory_space<vmem>>
    %dma_wait3A_71 = tpu.memref_squeeze %dma_wait3A_70 : memref<1x1x128xi32, #tpu.memory_space<vmem>> -> memref<128xi32, #tpu.memory_space<vmem>>
    %dma_wait3A_72 = arith.constant 0 : i32
    %dma_wait3A_73 = arith.constant 0 : i32
    %dma_wait3A_74 = tpu.memref_slice %arg8[%dma_wait3A_72, %dma_wait3A_73] : memref<10112x16xf32, #tpu.memory_space<vmem_shared>> -> memref<10112x16xf32, #tpu.memory_space<vmem_shared>>
    tpu.wait_indirect_dma semaphore(%arg13 : memref<!tpu.dma_semaphore, #tpu.memory_space<semaphore_mem>>) src(%arg10 : memref<128x16xf32, #tpu.memory_space<vmem>>) dst(%dma_wait3A_74 : memref<10112x16xf32, #tpu.memory_space<vmem_shared>>)
    %barrier3A_75 = arith.constant 0 : index
    tpu.barrier barrier_id(%barrier3A_75)
    %mul3A_76 = arith.constant 632 : i32
    %mul3A_77 = arith.muli %arg1, %mul3A_76 : i32
    "tpu.region"() ({
      %run_scoped3A = tpu.sem_alloc : memref<!tpu.dma_semaphore, #tpu.memory_space<semaphore_mem>>
      %dma_start3A_78 = arith.constant 0 : i32
      %dma_start3A_79 = tpu.memref_slice %arg5[%arg0, %mul3A_77, %dma_start3A_78] : memref<2x10112x16xf32, #tpu.memory_space<hbm>> -> memref<1x632x16xf32, #tpu.memory_space<hbm>>
      %dma_start3A_80 = tpu.memref_squeeze %dma_start3A_79 : memref<1x632x16xf32, #tpu.memory_space<hbm>> -> memref<632x16xf32, #tpu.memory_space<hbm>>
      %dma_start3A_81 = arith.constant 0 : i32
      %dma_start3A_82 = tpu.memref_slice %arg7[%mul3A_77, %dma_start3A_81] : memref<10112x16xf32, #tpu.memory_space<vmem_shared>> -> memref<632x16xf32, #tpu.memory_space<vmem_shared>>
      tpu.enqueue_dma source(%dma_start3A_82 : memref<632x16xf32, #tpu.memory_space<vmem_shared>>) target(%dma_start3A_80 : memref<632x16xf32, #tpu.memory_space<hbm>>) target_semaphore(%run_scoped3A : memref<!tpu.dma_semaphore, #tpu.memory_space<semaphore_mem>>)
      %dma_wait3A_83 = arith.constant 0 : i32
      %dma_wait3A_84 = tpu.memref_slice %arg5[%arg0, %mul3A_77, %dma_wait3A_83] : memref<2x10112x16xf32, #tpu.memory_space<hbm>> -> memref<1x632x16xf32, #tpu.memory_space<hbm>>
      %dma_wait3A_85 = tpu.memref_squeeze %dma_wait3A_84 : memref<1x632x16xf32, #tpu.memory_space<hbm>> -> memref<632x16xf32, #tpu.memory_space<hbm>>
      %dma_wait3A_86 = arith.constant 0 : i32
      %dma_wait3A_87 = tpu.memref_slice %arg7[%mul3A_77, %dma_wait3A_86] : memref<10112x16xf32, #tpu.memory_space<vmem_shared>> -> memref<632x16xf32, #tpu.memory_space<vmem_shared>>
      tpu.wait_dma2 semaphore(%run_scoped3A : memref<!tpu.dma_semaphore, #tpu.memory_space<semaphore_mem>>) src(%dma_wait3A_87 : memref<632x16xf32, #tpu.memory_space<vmem_shared>>) dst(%dma_wait3A_85 : memref<632x16xf32, #tpu.memory_space<hbm>>)
      tpu.yield
    }) : () -> ()
    "tpu.region"() ({
      %run_scoped3A = tpu.sem_alloc : memref<!tpu.dma_semaphore, #tpu.memory_space<semaphore_mem>>
      %dma_start3A_78 = arith.constant 0 : i32
      %dma_start3A_79 = tpu.memref_slice %arg6[%arg0, %mul3A_77, %dma_start3A_78] : memref<2x10112x16xf32, #tpu.memory_space<hbm>> -> memref<1x632x16xf32, #tpu.memory_space<hbm>>
      %dma_start3A_80 = tpu.memref_squeeze %dma_start3A_79 : memref<1x632x16xf32, #tpu.memory_space<hbm>> -> memref<632x16xf32, #tpu.memory_space<hbm>>
      %dma_start3A_81 = arith.constant 0 : i32
      %dma_start3A_82 = tpu.memref_slice %arg8[%mul3A_77, %dma_start3A_81] : memref<10112x16xf32, #tpu.memory_space<vmem_shared>> -> memref<632x16xf32, #tpu.memory_space<vmem_shared>>
      tpu.enqueue_dma source(%dma_start3A_82 : memref<632x16xf32, #tpu.memory_space<vmem_shared>>) target(%dma_start3A_80 : memref<632x16xf32, #tpu.memory_space<hbm>>) target_semaphore(%run_scoped3A : memref<!tpu.dma_semaphore, #tpu.memory_space<semaphore_mem>>)
      %dma_wait3A_83 = arith.constant 0 : i32
      %dma_wait3A_84 = tpu.memref_slice %arg6[%arg0, %mul3A_77, %dma_wait3A_83] : memref<2x10112x16xf32, #tpu.memory_space<hbm>> -> memref<1x632x16xf32, #tpu.memory_space<hbm>>
      %dma_wait3A_85 = tpu.memref_squeeze %dma_wait3A_84 : memref<1x632x16xf32, #tpu.memory_space<hbm>> -> memref<632x16xf32, #tpu.memory_space<hbm>>
      %dma_wait3A_86 = arith.constant 0 : i32
      %dma_wait3A_87 = tpu.memref_slice %arg8[%mul3A_77, %dma_wait3A_86] : memref<10112x16xf32, #tpu.memory_space<vmem_shared>> -> memref<632x16xf32, #tpu.memory_space<vmem_shared>>
      tpu.wait_dma2 semaphore(%run_scoped3A : memref<!tpu.dma_semaphore, #tpu.memory_space<semaphore_mem>>) src(%dma_wait3A_87 : memref<632x16xf32, #tpu.memory_space<vmem_shared>>) dst(%dma_wait3A_85 : memref<632x16xf32, #tpu.memory_space<hbm>>)
      tpu.yield
    }) : () -> ()
    return
  }
}

#map = affine_map<(d0, d1) -> (0, 0, 0)>
#map1 = affine_map<(d0, d1) -> (0, 0)>
module attributes {stable_mosaic.version = 14 : i64} {
  func.func @body(%arg0: i32, %arg1: i32, %arg2: memref<2528x2x128xi32, #tpu.memory_space<hbm>>, %arg3: memref<10112x16xf32, #tpu.memory_space<hbm>>, %arg4: memref<2x10112x16xf32, #tpu.memory_space<hbm>>, %arg5: memref<10112x16xf32, #tpu.memory_space<vmem_shared>>, %arg6: memref<79x2x128xi32, #tpu.memory_space<vmem>>, %arg7: memref<2x128x16xf32, #tpu.memory_space<vmem>>, %arg8: memref<!tpu.dma_semaphore, #tpu.memory_space<semaphore_mem>>, %arg9: memref<!tpu.dma_semaphore, #tpu.memory_space<semaphore_mem>>, %arg10: memref<632x16xf32, #tpu.memory_space<vmem>>, %arg11: memref<10112x16xf32, #tpu.memory_space<vmem_shared>>) attributes {dimension_semantics = [#tpu.dimension_semantics<core_parallel>, #tpu.dimension_semantics<subcore_parallel>], iteration_bounds = array<i64: 2, 16>, scalar_prefetch = 0 : i64, scratch_operands = 7 : i64, tpu.core_type = #tpu.core_type<sc_vector_subcore>, window_params = [{transform_indices = #map}, {transform_indices = #map1}, {transform_indices = #map}]} {
    %mul3A = arith.constant 16 : i32
    %mul3A_0 = arith.muli %arg0, %mul3A : i32
    %add3A = arith.addi %mul3A_0, %arg1 : i32
    %scan3A = arith.constant 0 : i32
    %scan3A_1 = arith.constant 0 : i32
    %scan3A_2 = arith.constant 632 : i32
    %scan3A_3 = arith.addi %scan3A_1, %scan3A_2 : i32
    %scan3A_4 = arith.constant 1 : i32
    %scan3A_5 = scf.for %scan3A_60 = %scan3A_1 to %scan3A_3 step %scan3A_4 iter_args(%scan3A_61 = %scan3A) -> (i32)  : i32 {
      %broadcast_in_dim3A = arith.constant 0.000000e+00 : f32
      %broadcast_in_dim3A_62 = vector.broadcast %broadcast_in_dim3A : f32 to vector<16xf32>
      %swap3A = arith.index_cast %scan3A_60 : i32 to index
      %swap3A_63 = arith.constant 0 : index
      %swap3A_64 = tpu.vector_load %arg10[%swap3A, %swap3A_63] {strides = array<i32>} : memref<632x16xf32, #tpu.memory_space<vmem>>, vector<1x16xf32>,
      %swap3A_65 = vector.shape_cast %swap3A_64 : vector<1x16xf32> to vector<16xf32>
      %swap3A_66 = vector.shape_cast %broadcast_in_dim3A_62 : vector<16xf32> to vector<1x16xf32>
      tpu.vector_store %arg10[%swap3A, %swap3A_63], %swap3A_66 {strides = array<i32>} : memref<632x16xf32, #tpu.memory_space<vmem>>, vector<1x16xf32>,
      %scan3A_67 = arith.constant 0 : i32
      scf.yield %scan3A_67 : i32
    }
    %scan3A_6 = arith.constant 632 : i32
    %mul3A_7 = arith.constant 632 : i32
    %mul3A_8 = arith.muli %arg1, %mul3A_7 : i32
    "tpu.region"() ({
      %run_scoped3A = tpu.sem_alloc : memref<!tpu.dma_semaphore, #tpu.memory_space<semaphore_mem>>
      %dma_start3A_60 = arith.constant 0 : i32
      %dma_start3A_61 = tpu.memref_slice %arg5[%mul3A_8, %dma_start3A_60] : memref<10112x16xf32, #tpu.memory_space<vmem_shared>> -> memref<632x16xf32, #tpu.memory_space<vmem_shared>>
      %dma_start3A_62 = arith.constant 0 : i32
      %dma_start3A_63 = tpu.memref_slice %arg5[%mul3A_8, %dma_start3A_62] : memref<10112x16xf32, #tpu.memory_space<vmem_shared>> -> memref<632x16xf32, #tpu.memory_space<vmem_shared>>
      tpu.enqueue_dma source(%arg10 : memref<632x16xf32, #tpu.memory_space<vmem>>) target(%dma_start3A_63 : memref<632x16xf32, #tpu.memory_space<vmem_shared>>) target_semaphore(%run_scoped3A : memref<!tpu.dma_semaphore, #tpu.memory_space<semaphore_mem>>)
      %dma_wait3A_64 = arith.constant 0 : i32
      %dma_wait3A_65 = tpu.memref_slice %arg5[%mul3A_8, %dma_wait3A_64] : memref<10112x16xf32, #tpu.memory_space<vmem_shared>> -> memref<632x16xf32, #tpu.memory_space<vmem_shared>>
      %dma_wait3A_66 = arith.constant 0 : i32
      %dma_wait3A_67 = tpu.memref_slice %arg5[%mul3A_8, %dma_wait3A_66] : memref<10112x16xf32, #tpu.memory_space<vmem_shared>> -> memref<632x16xf32, #tpu.memory_space<vmem_shared>>
      tpu.wait_dma2 semaphore(%run_scoped3A : memref<!tpu.dma_semaphore, #tpu.memory_space<semaphore_mem>>) src(%arg10 : memref<632x16xf32, #tpu.memory_space<vmem>>) dst(%dma_wait3A_67 : memref<632x16xf32, #tpu.memory_space<vmem_shared>>)
      tpu.yield
    }) : () -> ()
    %mul3A_9 = arith.constant 79 : i32
    %mul3A_10 = arith.muli %add3A, %mul3A_9 : i32
    "tpu.region"() ({
      %run_scoped3A = tpu.sem_alloc : memref<!tpu.dma_semaphore, #tpu.memory_space<semaphore_mem>>
      %dma_start3A_60 = arith.constant 0 : i32
      %dma_start3A_61 = arith.constant 0 : i32
      %dma_start3A_62 = tpu.memref_slice %arg2[%mul3A_10, %dma_start3A_60, %dma_start3A_61] : memref<2528x2x128xi32, #tpu.memory_space<hbm>> -> memref<79x2x128xi32, #tpu.memory_space<hbm>>
      %dma_start3A_63 = arith.constant 0 : i32
      %dma_start3A_64 = arith.constant 0 : i32
      %dma_start3A_65 = tpu.memref_slice %arg2[%mul3A_10, %dma_start3A_63, %dma_start3A_64] : memref<2528x2x128xi32, #tpu.memory_space<hbm>> -> memref<79x2x128xi32, #tpu.memory_space<hbm>>
      tpu.enqueue_dma source(%dma_start3A_65 : memref<79x2x128xi32, #tpu.memory_space<hbm>>) target(%arg6 : memref<79x2x128xi32, #tpu.memory_space<vmem>>) target_semaphore(%run_scoped3A : memref<!tpu.dma_semaphore, #tpu.memory_space<semaphore_mem>>)
      %dma_wait3A_66 = arith.constant 0 : i32
      %dma_wait3A_67 = arith.constant 0 : i32
      %dma_wait3A_68 = tpu.memref_slice %arg2[%mul3A_10, %dma_wait3A_66, %dma_wait3A_67] : memref<2528x2x128xi32, #tpu.memory_space<hbm>> -> memref<79x2x128xi32, #tpu.memory_space<hbm>>
      %dma_wait3A_69 = arith.constant 0 : i32
      %dma_wait3A_70 = arith.constant 0 : i32
      %dma_wait3A_71 = tpu.memref_slice %arg2[%mul3A_10, %dma_wait3A_69, %dma_wait3A_70] : memref<2528x2x128xi32, #tpu.memory_space<hbm>> -> memref<79x2x128xi32, #tpu.memory_space<hbm>>
      tpu.wait_dma2 semaphore(%run_scoped3A : memref<!tpu.dma_semaphore, #tpu.memory_space<semaphore_mem>>) src(%dma_wait3A_71 : memref<79x2x128xi32, #tpu.memory_space<hbm>>) dst(%arg6 : memref<79x2x128xi32, #tpu.memory_space<vmem>>)
      tpu.yield
    }) : () -> ()
    %eq3A = arith.constant 0 : i32
    %eq3A_11 = arith.cmpi eq, %arg1, %eq3A : i32
    %convert_element_type3A = arith.extui %eq3A_11 : i1 to i32
    %cond3A = arith.constant 0 : i32
    %cond3A_12 = arith.cmpi ne, %convert_element_type3A, %cond3A : i32
    scf.if %cond3A_12 {
      "tpu.region"() ({
        %run_scoped3A = tpu.sem_alloc : memref<!tpu.dma_semaphore, #tpu.memory_space<semaphore_mem>>
        %dma_start3A_60 = arith.constant 0 : i32
        %dma_start3A_61 = arith.constant 0 : i32
        %dma_start3A_62 = tpu.memref_slice %arg11[%dma_start3A_60, %dma_start3A_61] : memref<10112x16xf32, #tpu.memory_space<vmem_shared>> -> memref<10112x16xf32, #tpu.memory_space<vmem_shared>>
        tpu.enqueue_dma source(%arg3 : memref<10112x16xf32, #tpu.memory_space<hbm>>) target(%dma_start3A_62 : memref<10112x16xf32, #tpu.memory_space<vmem_shared>>) target_semaphore(%run_scoped3A : memref<!tpu.dma_semaphore, #tpu.memory_space<semaphore_mem>>)
        %dma_wait3A_63 = arith.constant 0 : i32
        %dma_wait3A_64 = arith.constant 0 : i32
        %dma_wait3A_65 = tpu.memref_slice %arg11[%dma_wait3A_63, %dma_wait3A_64] : memref<10112x16xf32, #tpu.memory_space<vmem_shared>> -> memref<10112x16xf32, #tpu.memory_space<vmem_shared>>
        tpu.wait_dma2 semaphore(%run_scoped3A : memref<!tpu.dma_semaphore, #tpu.memory_space<semaphore_mem>>) src(%arg3 : memref<10112x16xf32, #tpu.memory_space<hbm>>) dst(%dma_wait3A_65 : memref<10112x16xf32, #tpu.memory_space<vmem_shared>>)
        tpu.yield
      }) : () -> ()
    } else {
    }
    %barrier3A = arith.constant 0 : index
    tpu.barrier barrier_id(%barrier3A)
    %dma_start3A = arith.constant 0 : i32
    %dma_start3A_13 = arith.constant 0 : i32
    %dma_start3A_14 = arith.constant 0 : i32
    %dma_start3A_15 = arith.constant 0 : i32
    %dma_start3A_16 = arith.constant 0 : i32
    %dma_start3A_17 = tpu.memref_slice %arg7[%dma_start3A_14, %dma_start3A_15, %dma_start3A_16] : memref<2x128x16xf32, #tpu.memory_space<vmem>> -> memref<1x128x16xf32, #tpu.memory_space<vmem>>
    %dma_start3A_18 = tpu.memref_squeeze %dma_start3A_17 : memref<1x128x16xf32, #tpu.memory_space<vmem>> -> memref<128x16xf32, #tpu.memory_space<vmem>>
    %dma_start3A_19 = arith.constant 0 : i32
    %dma_start3A_20 = tpu.memref_slice %arg6[%dma_start3A, %dma_start3A_13, %dma_start3A_19] : memref<79x2x128xi32, #tpu.memory_space<vmem>> -> memref<1x1x128xi32, #tpu.memory_space<vmem>>
    %dma_start3A_21 = tpu.memref_squeeze %dma_start3A_20 : memref<1x1x128xi32, #tpu.memory_space<vmem>> -> memref<128xi32, #tpu.memory_space<vmem>>
    %dma_start3A_22 = arith.constant 0 : i32
    %dma_start3A_23 = arith.constant 0 : i32
    %dma_start3A_24 = tpu.memref_slice %arg11[%dma_start3A_22, %dma_start3A_23] : memref<10112x16xf32, #tpu.memory_space<vmem_shared>> -> memref<10112x16xf32, #tpu.memory_space<vmem_shared>>
    tpu.enqueue_indirect_dma source(%dma_start3A_24 : memref<10112x16xf32, #tpu.memory_space<vmem_shared>>) target(%dma_start3A_18 : memref<128x16xf32, #tpu.memory_space<vmem>>) offsets(%dma_start3A_21 : memref<128xi32, #tpu.memory_space<vmem>>) semaphore(%arg8 : memref<!tpu.dma_semaphore, #tpu.memory_space<semaphore_mem>>)
    %scan3A_25 = arith.constant 0 : i32
    %scan3A_26 = arith.constant 0 : i32
    %scan3A_27 = arith.constant 79 : i32
    %scan3A_28 = arith.addi %scan3A_26, %scan3A_27 : i32
    %scan3A_29 = arith.constant 1 : i32
    %scan3A_30 = scf.for %scan3A_60 = %scan3A_26 to %scan3A_28 step %scan3A_29 iter_args(%scan3A_61 = %scan3A_25) -> (i32)  : i32 {
      %dma_wait3A_62 = arith.constant 0 : i32
      %dma_wait3A_63 = arith.constant 0 : i32
      %dma_wait3A_64 = arith.constant 0 : i32
      %dma_wait3A_65 = arith.constant 0 : i32
      %dma_wait3A_66 = arith.constant 0 : i32
      %dma_wait3A_67 = tpu.memref_slice %arg7[%dma_wait3A_64, %dma_wait3A_65, %dma_wait3A_66] : memref<2x128x16xf32, #tpu.memory_space<vmem>> -> memref<1x128x16xf32, #tpu.memory_space<vmem>>
      %dma_wait3A_68 = tpu.memref_squeeze %dma_wait3A_67 : memref<1x128x16xf32, #tpu.memory_space<vmem>> -> memref<128x16xf32, #tpu.memory_space<vmem>>
      %dma_wait3A_69 = arith.constant 0 : i32
      %dma_wait3A_70 = tpu.memref_slice %arg6[%dma_wait3A_62, %dma_wait3A_63, %dma_wait3A_69] : memref<79x2x128xi32, #tpu.memory_space<vmem>> -> memref<1x1x128xi32, #tpu.memory_space<vmem>>
      %dma_wait3A_71 = tpu.memref_squeeze %dma_wait3A_70 : memref<1x1x128xi32, #tpu.memory_space<vmem>> -> memref<128xi32, #tpu.memory_space<vmem>>
      %dma_wait3A_72 = arith.constant 0 : i32
      %dma_wait3A_73 = arith.constant 0 : i32
      %dma_wait3A_74 = tpu.memref_slice %arg11[%dma_wait3A_72, %dma_wait3A_73] : memref<10112x16xf32, #tpu.memory_space<vmem_shared>> -> memref<10112x16xf32, #tpu.memory_space<vmem_shared>>
      tpu.wait_indirect_dma semaphore(%arg8 : memref<!tpu.dma_semaphore, #tpu.memory_space<semaphore_mem>>) src(%dma_wait3A_74 : memref<10112x16xf32, #tpu.memory_space<vmem_shared>>) dst(%dma_wait3A_68 : memref<128x16xf32, #tpu.memory_space<vmem>>)
      %rem3A = arith.constant 2 : i32
      %rem3A_75 = arith.remsi %scan3A_60, %rem3A : i32
      %dma_start3A_76 = arith.constant 1 : i32
      %dma_start3A_77 = arith.constant 0 : i32
      %dma_start3A_78 = arith.constant 0 : i32
      %dma_start3A_79 = tpu.memref_slice %arg7[%rem3A_75, %dma_start3A_77, %dma_start3A_78] : memref<2x128x16xf32, #tpu.memory_space<vmem>> -> memref<1x128x16xf32, #tpu.memory_space<vmem>>
      %dma_start3A_80 = tpu.memref_squeeze %dma_start3A_79 : memref<1x128x16xf32, #tpu.memory_space<vmem>> -> memref<128x16xf32, #tpu.memory_space<vmem>>
      %dma_start3A_81 = arith.constant 0 : i32
      %dma_start3A_82 = tpu.memref_slice %arg6[%scan3A_60, %dma_start3A_76, %dma_start3A_81] : memref<79x2x128xi32, #tpu.memory_space<vmem>> -> memref<1x1x128xi32, #tpu.memory_space<vmem>>
      %dma_start3A_83 = tpu.memref_squeeze %dma_start3A_82 : memref<1x1x128xi32, #tpu.memory_space<vmem>> -> memref<128xi32, #tpu.memory_space<vmem>>
      %dma_start3A_84 = arith.constant 0 : i32
      %dma_start3A_85 = arith.constant 0 : i32
      %dma_start3A_86 = tpu.memref_slice %arg5[%dma_start3A_84, %dma_start3A_85] : memref<10112x16xf32, #tpu.memory_space<vmem_shared>> -> memref<10112x16xf32, #tpu.memory_space<vmem_shared>>
      tpu.enqueue_indirect_dma source(%dma_start3A_80 : memref<128x16xf32, #tpu.memory_space<vmem>>) target(%dma_start3A_86 : memref<10112x16xf32, #tpu.memory_space<vmem_shared>>) offsets(%dma_start3A_83 : memref<128xi32, #tpu.memory_space<vmem>>) semaphore(%arg9 : memref<!tpu.dma_semaphore, #tpu.memory_space<semaphore_mem>>) {add = true}
      %add3A_87 = arith.constant 1 : i32
      %add3A_88 = arith.addi %scan3A_60, %add3A_87 : i32
      %lt3A = arith.constant 79 : i32
      %lt3A_89 = arith.cmpi slt, %add3A_88, %lt3A : i32
      %convert_element_type3A_90 = arith.extui %lt3A_89 : i1 to i32
      %cond3A_91 = arith.constant 0 : i32
      %cond3A_92 = arith.cmpi ne, %convert_element_type3A_90, %cond3A_91 : i32
      scf.if %cond3A_92 {
        %ge3A = arith.constant 1 : i32
        %ge3A_94 = arith.cmpi sge, %scan3A_60, %ge3A : i32
        %convert_element_type3A_95 = arith.extui %ge3A_94 : i1 to i32
        %cond3A_96 = arith.constant 0 : i32
        %cond3A_97 = arith.cmpi ne, %convert_element_type3A_95, %cond3A_96 : i32
        scf.if %cond3A_97 {
          %sub3A = arith.constant 1 : i32
          %sub3A_115 = arith.subi %scan3A_60, %sub3A : i32
          %dma_wait3A_116 = arith.constant 0 : i32
          %dma_wait3A_117 = arith.constant 1 : i32
          %dma_wait3A_118 = arith.constant 0 : i32
          %dma_wait3A_119 = arith.constant 0 : i32
          %dma_wait3A_120 = tpu.memref_slice %arg7[%dma_wait3A_116, %dma_wait3A_118, %dma_wait3A_119] : memref<2x128x16xf32, #tpu.memory_space<vmem>> -> memref<1x128x16xf32, #tpu.memory_space<vmem>>
          %dma_wait3A_121 = tpu.memref_squeeze %dma_wait3A_120 : memref<1x128x16xf32, #tpu.memory_space<vmem>> -> memref<128x16xf32, #tpu.memory_space<vmem>>
          %dma_wait3A_122 = arith.constant 0 : i32
          %dma_wait3A_123 = tpu.memref_slice %arg6[%sub3A_115, %dma_wait3A_117, %dma_wait3A_122] : memref<79x2x128xi32, #tpu.memory_space<vmem>> -> memref<1x1x128xi32, #tpu.memory_space<vmem>>
          %dma_wait3A_124 = tpu.memref_squeeze %dma_wait3A_123 : memref<1x1x128xi32, #tpu.memory_space<vmem>> -> memref<128xi32, #tpu.memory_space<vmem>>
          %dma_wait3A_125 = arith.constant 0 : i32
          %dma_wait3A_126 = arith.constant 0 : i32
          %dma_wait3A_127 = tpu.memref_slice %arg5[%dma_wait3A_125, %dma_wait3A_126] : memref<10112x16xf32, #tpu.memory_space<vmem_shared>> -> memref<10112x16xf32, #tpu.memory_space<vmem_shared>>
          tpu.wait_indirect_dma semaphore(%arg9 : memref<!tpu.dma_semaphore, #tpu.memory_space<semaphore_mem>>) src(%dma_wait3A_121 : memref<128x16xf32, #tpu.memory_space<vmem>>) dst(%dma_wait3A_127 : memref<10112x16xf32, #tpu.memory_space<vmem_shared>>)
        } else {
        }
        %add3A_98 = arith.constant 1 : i32
        %add3A_99 = arith.addi %scan3A_60, %add3A_98 : i32
        %add3A_100 = arith.constant 1 : i32
        %add3A_101 = arith.addi %scan3A_60, %add3A_100 : i32
        %rem3A_102 = arith.constant 2 : i32
        %rem3A_103 = arith.remsi %add3A_101, %rem3A_102 : i32
        %dma_start3A_104 = arith.constant 0 : i32
        %dma_start3A_105 = arith.constant 0 : i32
        %dma_start3A_106 = arith.constant 0 : i32
        %dma_start3A_107 = tpu.memref_slice %arg7[%rem3A_103, %dma_start3A_105, %dma_start3A_106] : memref<2x128x16xf32, #tpu.memory_space<vmem>> -> memref<1x128x16xf32, #tpu.memory_space<vmem>>
        %dma_start3A_108 = tpu.memref_squeeze %dma_start3A_107 : memref<1x128x16xf32, #tpu.memory_space<vmem>> -> memref<128x16xf32, #tpu.memory_space<vmem>>
        %dma_start3A_109 = arith.constant 0 : i32
        %dma_start3A_110 = tpu.memref_slice %arg6[%add3A_99, %dma_start3A_104, %dma_start3A_109] : memref<79x2x128xi32, #tpu.memory_space<vmem>> -> memref<1x1x128xi32, #tpu.memory_space<vmem>>
        %dma_start3A_111 = tpu.memref_squeeze %dma_start3A_110 : memref<1x1x128xi32, #tpu.memory_space<vmem>> -> memref<128xi32, #tpu.memory_space<vmem>>
        %dma_start3A_112 = arith.constant 0 : i32
        %dma_start3A_113 = arith.constant 0 : i32
        %dma_start3A_114 = tpu.memref_slice %arg11[%dma_start3A_112, %dma_start3A_113] : memref<10112x16xf32, #tpu.memory_space<vmem_shared>> -> memref<10112x16xf32, #tpu.memory_space<vmem_shared>>
        tpu.enqueue_indirect_dma source(%dma_start3A_114 : memref<10112x16xf32, #tpu.memory_space<vmem_shared>>) target(%dma_start3A_108 : memref<128x16xf32, #tpu.memory_space<vmem>>) offsets(%dma_start3A_111 : memref<128xi32, #tpu.memory_space<vmem>>) semaphore(%arg8 : memref<!tpu.dma_semaphore, #tpu.memory_space<semaphore_mem>>)
      } else {
      }
      %scan3A_93 = arith.constant 0 : i32
      scf.yield %scan3A_93 : i32
    }
    %scan3A_31 = arith.constant 79 : i32
    %dma_wait3A = arith.constant 0 : i32
    %dma_wait3A_32 = arith.constant 77 : i32
    %dma_wait3A_33 = arith.constant 1 : i32
    %dma_wait3A_34 = arith.constant 0 : i32
    %dma_wait3A_35 = arith.constant 0 : i32
    %dma_wait3A_36 = tpu.memref_slice %arg7[%dma_wait3A, %dma_wait3A_34, %dma_wait3A_35] : memref<2x128x16xf32, #tpu.memory_space<vmem>> -> memref<1x128x16xf32, #tpu.memory_space<vmem>>
    %dma_wait3A_37 = tpu.memref_squeeze %dma_wait3A_36 : memref<1x128x16xf32, #tpu.memory_space<vmem>> -> memref<128x16xf32, #tpu.memory_space<vmem>>
    %dma_wait3A_38 = arith.constant 0 : i32
    %dma_wait3A_39 = tpu.memref_slice %arg6[%dma_wait3A_32, %dma_wait3A_33, %dma_wait3A_38] : memref<79x2x128xi32, #tpu.memory_space<vmem>> -> memref<1x1x128xi32, #tpu.memory_space<vmem>>
    %dma_wait3A_40 = tpu.memref_squeeze %dma_wait3A_39 : memref<1x1x128xi32, #tpu.memory_space<vmem>> -> memref<128xi32, #tpu.memory_space<vmem>>
    %dma_wait3A_41 = arith.constant 0 : i32
    %dma_wait3A_42 = arith.constant 0 : i32
    %dma_wait3A_43 = tpu.memref_slice %arg5[%dma_wait3A_41, %dma_wait3A_42] : memref<10112x16xf32, #tpu.memory_space<vmem_shared>> -> memref<10112x16xf32, #tpu.memory_space<vmem_shared>>
    tpu.wait_indirect_dma semaphore(%arg9 : memref<!tpu.dma_semaphore, #tpu.memory_space<semaphore_mem>>) src(%dma_wait3A_37 : memref<128x16xf32, #tpu.memory_space<vmem>>) dst(%dma_wait3A_43 : memref<10112x16xf32, #tpu.memory_space<vmem_shared>>)
    %dma_wait3A_44 = arith.constant 0 : i32
    %dma_wait3A_45 = arith.constant 78 : i32
    %dma_wait3A_46 = arith.constant 1 : i32
    %dma_wait3A_47 = arith.constant 0 : i32
    %dma_wait3A_48 = arith.constant 0 : i32
    %dma_wait3A_49 = tpu.memref_slice %arg7[%dma_wait3A_44, %dma_wait3A_47, %dma_wait3A_48] : memref<2x128x16xf32, #tpu.memory_space<vmem>> -> memref<1x128x16xf32, #tpu.memory_space<vmem>>
    %dma_wait3A_50 = tpu.memref_squeeze %dma_wait3A_49 : memref<1x128x16xf32, #tpu.memory_space<vmem>> -> memref<128x16xf32, #tpu.memory_space<vmem>>
    %dma_wait3A_51 = arith.constant 0 : i32
    %dma_wait3A_52 = tpu.memref_slice %arg6[%dma_wait3A_45, %dma_wait3A_46, %dma_wait3A_51] : memref<79x2x128xi32, #tpu.memory_space<vmem>> -> memref<1x1x128xi32, #tpu.memory_space<vmem>>
    %dma_wait3A_53 = tpu.memref_squeeze %dma_wait3A_52 : memref<1x1x128xi32, #tpu.memory_space<vmem>> -> memref<128xi32, #tpu.memory_space<vmem>>
    %dma_wait3A_54 = arith.constant 0 : i32
    %dma_wait3A_55 = arith.constant 0 : i32
    %dma_wait3A_56 = tpu.memref_slice %arg5[%dma_wait3A_54, %dma_wait3A_55] : memref<10112x16xf32, #tpu.memory_space<vmem_shared>> -> memref<10112x16xf32, #tpu.memory_space<vmem_shared>>
    tpu.wait_indirect_dma semaphore(%arg9 : memref<!tpu.dma_semaphore, #tpu.memory_space<semaphore_mem>>) src(%dma_wait3A_50 : memref<128x16xf32, #tpu.memory_space<vmem>>) dst(%dma_wait3A_56 : memref<10112x16xf32, #tpu.memory_space<vmem_shared>>)
    %barrier3A_57 = arith.constant 0 : index
    tpu.barrier barrier_id(%barrier3A_57)
    %mul3A_58 = arith.constant 632 : i32
    %mul3A_59 = arith.muli %arg1, %mul3A_58 : i32
    "tpu.region"() ({
      %run_scoped3A = tpu.sem_alloc : memref<!tpu.dma_semaphore, #tpu.memory_space<semaphore_mem>>
      %dma_start3A_60 = arith.constant 0 : i32
      %dma_start3A_61 = tpu.memref_slice %arg4[%arg0, %mul3A_59, %dma_start3A_60] : memref<2x10112x16xf32, #tpu.memory_space<hbm>> -> memref<1x632x16xf32, #tpu.memory_space<hbm>>
      %dma_start3A_62 = tpu.memref_squeeze %dma_start3A_61 : memref<1x632x16xf32, #tpu.memory_space<hbm>> -> memref<632x16xf32, #tpu.memory_space<hbm>>
      %dma_start3A_63 = arith.constant 0 : i32
      %dma_start3A_64 = tpu.memref_slice %arg5[%mul3A_59, %dma_start3A_63] : memref<10112x16xf32, #tpu.memory_space<vmem_shared>> -> memref<632x16xf32, #tpu.memory_space<vmem_shared>>
      tpu.enqueue_dma source(%dma_start3A_64 : memref<632x16xf32, #tpu.memory_space<vmem_shared>>) target(%dma_start3A_62 : memref<632x16xf32, #tpu.memory_space<hbm>>) target_semaphore(%run_scoped3A : memref<!tpu.dma_semaphore, #tpu.memory_space<semaphore_mem>>)
      %dma_wait3A_65 = arith.constant 0 : i32
      %dma_wait3A_66 = tpu.memref_slice %arg4[%arg0, %mul3A_59, %dma_wait3A_65] : memref<2x10112x16xf32, #tpu.memory_space<hbm>> -> memref<1x632x16xf32, #tpu.memory_space<hbm>>
      %dma_wait3A_67 = tpu.memref_squeeze %dma_wait3A_66 : memref<1x632x16xf32, #tpu.memory_space<hbm>> -> memref<632x16xf32, #tpu.memory_space<hbm>>
      %dma_wait3A_68 = arith.constant 0 : i32
      %dma_wait3A_69 = tpu.memref_slice %arg5[%mul3A_59, %dma_wait3A_68] : memref<10112x16xf32, #tpu.memory_space<vmem_shared>> -> memref<632x16xf32, #tpu.memory_space<vmem_shared>>
      tpu.wait_dma2 semaphore(%run_scoped3A : memref<!tpu.dma_semaphore, #tpu.memory_space<semaphore_mem>>) src(%dma_wait3A_69 : memref<632x16xf32, #tpu.memory_space<vmem_shared>>) dst(%dma_wait3A_67 : memref<632x16xf32, #tpu.memory_space<hbm>>)
      tpu.yield
    }) : () -> ()
    return
  }
}

module attributes {stable_mosaic.version = 14 : i64} {
  func.func @body(%arg0: memref<10000x128xf32, #tpu.memory_space<vmem>>, %arg1: memref<128x16xf32, #tpu.memory_space<vmem>>, %arg2: memref<1250x128xf32, #tpu.memory_space<vmem>>) attributes {dimension_semantics = [], scalar_prefetch = 0 : i64, scratch_operands = 0 : i64, tpu.core_type = #tpu.core_type<tc>} {
    %get3A = arith.constant 0 : index
    %get3A_0 = arith.constant 0 : index
    %get3A_1 = vector.load %arg0[%get3A, %get3A_0] : memref<10000x128xf32, #tpu.memory_space<vmem>>, vector<10000x128xf32>
    %reshape3A = vector.shape_cast %get3A_1 : vector<10000x128xf32> to vector<1250x8x128xf32>
    %get3A_2 = arith.constant 0 : index
    %get3A_3 = arith.constant 0 : index
    %get3A_4 = vector.load %arg1[%get3A_2, %get3A_3] : memref<128x16xf32, #tpu.memory_space<vmem>>, vector<128x16xf32>
    %slice3A = vector.extract_strided_slice %reshape3A {offsets = [0, 0, 0], sizes = [1250, 1, 128], strides = [1, 1, 1]} : vector<1250x8x128xf32> to vector<1250x1x128xf32>
    %reshape3A_5 = vector.shape_cast %slice3A : vector<1250x1x128xf32> to vector<1250x128xf32>
    %dot_general3A = arith.constant dense<0.000000e+00> : vector<1250x16xf32>
    %dot_general3A_6 = tpu.matmul %reshape3A_5, %get3A_4, %dot_general3A {dimension_numbers = #tpu.dot_dimension_numbers<[1], [0], [0], [1], [0, 0, 1, 1], [], []>, transpose_lhs_hint = false} : vector<1250x128xf32>, vector<128x16xf32>, vector<1250x16xf32> -> vector<1250x16xf32>
    %slice3A_7 = vector.extract_strided_slice %reshape3A {offsets = [0, 1, 0], sizes = [1250, 1, 128], strides = [1, 1, 1]} : vector<1250x8x128xf32> to vector<1250x1x128xf32>
    %reshape3A_8 = vector.shape_cast %slice3A_7 : vector<1250x1x128xf32> to vector<1250x128xf32>
    %dot_general3A_9 = arith.constant dense<0.000000e+00> : vector<1250x16xf32>
    %dot_general3A_10 = tpu.matmul %reshape3A_8, %get3A_4, %dot_general3A_9 {dimension_numbers = #tpu.dot_dimension_numbers<[1], [0], [0], [1], [0, 0, 1, 1], [], []>, transpose_lhs_hint = false} : vector<1250x128xf32>, vector<128x16xf32>, vector<1250x16xf32> -> vector<1250x16xf32>
    %slice3A_11 = vector.extract_strided_slice %reshape3A {offsets = [0, 2, 0], sizes = [1250, 1, 128], strides = [1, 1, 1]} : vector<1250x8x128xf32> to vector<1250x1x128xf32>
    %reshape3A_12 = vector.shape_cast %slice3A_11 : vector<1250x1x128xf32> to vector<1250x128xf32>
    %dot_general3A_13 = arith.constant dense<0.000000e+00> : vector<1250x16xf32>
    %dot_general3A_14 = tpu.matmul %reshape3A_12, %get3A_4, %dot_general3A_13 {dimension_numbers = #tpu.dot_dimension_numbers<[1], [0], [0], [1], [0, 0, 1, 1], [], []>, transpose_lhs_hint = false} : vector<1250x128xf32>, vector<128x16xf32>, vector<1250x16xf32> -> vector<1250x16xf32>
    %slice3A_15 = vector.extract_strided_slice %reshape3A {offsets = [0, 3, 0], sizes = [1250, 1, 128], strides = [1, 1, 1]} : vector<1250x8x128xf32> to vector<1250x1x128xf32>
    %reshape3A_16 = vector.shape_cast %slice3A_15 : vector<1250x1x128xf32> to vector<1250x128xf32>
    %dot_general3A_17 = arith.constant dense<0.000000e+00> : vector<1250x16xf32>
    %dot_general3A_18 = tpu.matmul %reshape3A_16, %get3A_4, %dot_general3A_17 {dimension_numbers = #tpu.dot_dimension_numbers<[1], [0], [0], [1], [0, 0, 1, 1], [], []>, transpose_lhs_hint = false} : vector<1250x128xf32>, vector<128x16xf32>, vector<1250x16xf32> -> vector<1250x16xf32>
    %slice3A_19 = vector.extract_strided_slice %reshape3A {offsets = [0, 4, 0], sizes = [1250, 1, 128], strides = [1, 1, 1]} : vector<1250x8x128xf32> to vector<1250x1x128xf32>
    %reshape3A_20 = vector.shape_cast %slice3A_19 : vector<1250x1x128xf32> to vector<1250x128xf32>
    %dot_general3A_21 = arith.constant dense<0.000000e+00> : vector<1250x16xf32>
    %dot_general3A_22 = tpu.matmul %reshape3A_20, %get3A_4, %dot_general3A_21 {dimension_numbers = #tpu.dot_dimension_numbers<[1], [0], [0], [1], [0, 0, 1, 1], [], []>, transpose_lhs_hint = false} : vector<1250x128xf32>, vector<128x16xf32>, vector<1250x16xf32> -> vector<1250x16xf32>
    %slice3A_23 = vector.extract_strided_slice %reshape3A {offsets = [0, 5, 0], sizes = [1250, 1, 128], strides = [1, 1, 1]} : vector<1250x8x128xf32> to vector<1250x1x128xf32>
    %reshape3A_24 = vector.shape_cast %slice3A_23 : vector<1250x1x128xf32> to vector<1250x128xf32>
    %dot_general3A_25 = arith.constant dense<0.000000e+00> : vector<1250x16xf32>
    %dot_general3A_26 = tpu.matmul %reshape3A_24, %get3A_4, %dot_general3A_25 {dimension_numbers = #tpu.dot_dimension_numbers<[1], [0], [0], [1], [0, 0, 1, 1], [], []>, transpose_lhs_hint = false} : vector<1250x128xf32>, vector<128x16xf32>, vector<1250x16xf32> -> vector<1250x16xf32>
    %slice3A_27 = vector.extract_strided_slice %reshape3A {offsets = [0, 6, 0], sizes = [1250, 1, 128], strides = [1, 1, 1]} : vector<1250x8x128xf32> to vector<1250x1x128xf32>
    %reshape3A_28 = vector.shape_cast %slice3A_27 : vector<1250x1x128xf32> to vector<1250x128xf32>
    %dot_general3A_29 = arith.constant dense<0.000000e+00> : vector<1250x16xf32>
    %dot_general3A_30 = tpu.matmul %reshape3A_28, %get3A_4, %dot_general3A_29 {dimension_numbers = #tpu.dot_dimension_numbers<[1], [0], [0], [1], [0, 0, 1, 1], [], []>, transpose_lhs_hint = false} : vector<1250x128xf32>, vector<128x16xf32>, vector<1250x16xf32> -> vector<1250x16xf32>
    %slice3A_31 = vector.extract_strided_slice %reshape3A {offsets = [0, 7, 0], sizes = [1250, 1, 128], strides = [1, 1, 1]} : vector<1250x8x128xf32> to vector<1250x1x128xf32>
    %reshape3A_32 = vector.shape_cast %slice3A_31 : vector<1250x1x128xf32> to vector<1250x128xf32>
    %dot_general3A_33 = arith.constant dense<0.000000e+00> : vector<1250x16xf32>
    %dot_general3A_34 = tpu.matmul %reshape3A_32, %get3A_4, %dot_general3A_33 {dimension_numbers = #tpu.dot_dimension_numbers<[1], [0], [0], [1], [0, 0, 1, 1], [], []>, transpose_lhs_hint = false} : vector<1250x128xf32>, vector<128x16xf32>, vector<1250x16xf32> -> vector<1250x16xf32>
    %concatenate3A = tpu.concatenate %dot_general3A_6, %dot_general3A_10, %dot_general3A_14, %dot_general3A_18, %dot_general3A_22, %dot_general3A_26, %dot_general3A_30, %dot_general3A_34 in 1 : vector<1250x16xf32>, vector<1250x16xf32>, vector<1250x16xf32>, vector<1250x16xf32>, vector<1250x16xf32>, vector<1250x16xf32>, vector<1250x16xf32>, vector<1250x16xf32> -> vector<1250x128xf32>
    %swap3A = arith.constant 0 : index
    %swap3A_35 = arith.constant 0 : index
    %swap3A_36 = vector.load %arg2[%swap3A, %swap3A_35] : memref<1250x128xf32, #tpu.memory_space<vmem>>, vector<1250x128xf32>
    tpu.vector_store %arg2[%swap3A, %swap3A_35], %concatenate3A {strides = array<i32>} : memref<1250x128xf32, #tpu.memory_space<vmem>>, vector<1250x128xf32>,
    return
  }
}

module attributes {stable_mosaic.version = 14 : i64} {
  func.func @body(%arg0: memref<2x1264x128xf32, #tpu.memory_space<vmem>>, %arg1: memref<2x1264x128xf32, #tpu.memory_space<vmem>>, %arg2: memref<1x16xf32, #tpu.memory_space<vmem>>, %arg3: memref<16x16xf32, #tpu.memory_space<vmem>>, %arg4: memref<1264x128xf32, #tpu.memory_space<vmem>>) attributes {dimension_semantics = [], scalar_prefetch = 0 : i64, scratch_operands = 0 : i64, tpu.core_type = #tpu.core_type<tc>} {
    %get3A = arith.constant 0 : index
    %get3A_0 = arith.constant 0 : index
    %get3A_1 = arith.constant 0 : index
    %get3A_2 = vector.load %arg1[%get3A, %get3A_0, %get3A_1] : memref<2x1264x128xf32, #tpu.memory_space<vmem>>, vector<1x1264x128xf32>
    %get3A_3 = vector.shape_cast %get3A_2 : vector<1x1264x128xf32> to vector<1264x128xf32>
    %get3A_4 = arith.constant 1 : index
    %get3A_5 = arith.constant 0 : index
    %get3A_6 = arith.constant 0 : index
    %get3A_7 = vector.load %arg1[%get3A_4, %get3A_5, %get3A_6] : memref<2x1264x128xf32, #tpu.memory_space<vmem>>, vector<1x1264x128xf32>
    %get3A_8 = vector.shape_cast %get3A_7 : vector<1x1264x128xf32> to vector<1264x128xf32>
    %add3A = arith.addf %get3A_3, %get3A_8 : vector<1264x128xf32>
    %max3A = arith.constant 1.000000e+00 : f32
    %max3A_9 = vector.broadcast %max3A : f32 to vector<1264x128xf32>
    %max3A_10 = arith.maximumf %add3A, %max3A_9 : vector<1264x128xf32>
    %get3A_11 = arith.constant 0 : index
    %get3A_12 = arith.constant 0 : index
    %get3A_13 = arith.constant 0 : index
    %get3A_14 = vector.load %arg0[%get3A_11, %get3A_12, %get3A_13] : memref<2x1264x128xf32, #tpu.memory_space<vmem>>, vector<1x1264x128xf32>
    %get3A_15 = vector.shape_cast %get3A_14 : vector<1x1264x128xf32> to vector<1264x128xf32>
    %get3A_16 = arith.constant 1 : index
    %get3A_17 = arith.constant 0 : index
    %get3A_18 = arith.constant 0 : index
    %get3A_19 = vector.load %arg0[%get3A_16, %get3A_17, %get3A_18] : memref<2x1264x128xf32, #tpu.memory_space<vmem>>, vector<1x1264x128xf32>
    %get3A_20 = vector.shape_cast %get3A_19 : vector<1x1264x128xf32> to vector<1264x128xf32>
    %add3A_21 = arith.addf %get3A_15, %get3A_20 : vector<1264x128xf32>
    %div3A = arith.divf %add3A_21, %max3A_10 : vector<1264x128xf32>
    %get3A_22 = arith.constant 0 : index
    %get3A_23 = arith.constant 0 : index
    %get3A_24 = vector.load %arg2[%get3A_22, %get3A_23] : memref<1x16xf32, #tpu.memory_space<vmem>>, vector<1x16xf32>
    %concatenate3A = tpu.concatenate %get3A_24, %get3A_24, %get3A_24, %get3A_24, %get3A_24, %get3A_24, %get3A_24, %get3A_24 in 1 : vector<1x16xf32>, vector<1x16xf32>, vector<1x16xf32>, vector<1x16xf32>, vector<1x16xf32>, vector<1x16xf32>, vector<1x16xf32>, vector<1x16xf32> -> vector<1x128xf32>
    %add3A_25 = vector.broadcast %concatenate3A : vector<1x128xf32> to vector<1264x128xf32>
    %add3A_26 = arith.addf %div3A, %add3A_25 : vector<1264x128xf32>
    %max3A_27 = arith.constant 0.000000e+00 : f32
    %max3A_28 = vector.broadcast %max3A_27 : f32 to vector<1264x128xf32>
    %max3A_29 = arith.maximumf %add3A_26, %max3A_28 : vector<1264x128xf32>
    %get3A_30 = arith.constant 0 : index
    %get3A_31 = arith.constant 0 : index
    %get3A_32 = vector.load %arg3[%get3A_30, %get3A_31] : memref<16x16xf32, #tpu.memory_space<vmem>>, vector<16x16xf32>
    %concatenate3A_33 = tpu.concatenate %get3A_32, %get3A_32, %get3A_32, %get3A_32, %get3A_32, %get3A_32, %get3A_32, %get3A_32 in 0 : vector<16x16xf32>, vector<16x16xf32>, vector<16x16xf32>, vector<16x16xf32>, vector<16x16xf32>, vector<16x16xf32>, vector<16x16xf32>, vector<16x16xf32> -> vector<128x16xf32>
    %concatenate3A_34 = tpu.concatenate %concatenate3A_33, %concatenate3A_33, %concatenate3A_33, %concatenate3A_33, %concatenate3A_33, %concatenate3A_33, %concatenate3A_33, %concatenate3A_33 in 1 : vector<128x16xf32>, vector<128x16xf32>, vector<128x16xf32>, vector<128x16xf32>, vector<128x16xf32>, vector<128x16xf32>, vector<128x16xf32>, vector<128x16xf32> -> vector<128x128xf32>
    %iota3A = tpu.iota {dimensions = array<i32: 0>} : vector<128x128xi32>
    %jit3A = arith.constant 16 : i32
    %div3A_35 = vector.broadcast %jit3A : i32 to vector<128x128xi32>
    %div3A_36 = arith.divsi %iota3A, %div3A_35 : vector<128x128xi32>
    %sign3A = arith.constant 0 : i32
    %sign3A_37 = vector.broadcast %sign3A : i32 to vector<128x128xi32>
    %sign3A_38 = arith.cmpi sgt, %iota3A, %sign3A_37 : vector<128x128xi32>
    %sign3A_39 = arith.extui %sign3A_38 : vector<128x128xi1> to vector<128x128xi32>
    %sign3A_40 = arith.constant 0 : i32
    %sign3A_41 = vector.broadcast %sign3A_40 : i32 to vector<128x128xi32>
    %sign3A_42 = arith.cmpi slt, %iota3A, %sign3A_41 : vector<128x128xi32>
    %sign3A_43 = arith.extui %sign3A_42 : vector<128x128xi1> to vector<128x128xi32>
    %sign3A_44 = arith.subi %sign3A_39, %sign3A_43 : vector<128x128xi32>
    %sign3A_45 = arith.constant 0 : i32
    %sign3A_46 = arith.cmpi sgt, %jit3A, %sign3A_45 : i32
    %sign3A_47 = arith.extui %sign3A_46 : i1 to i32
    %sign3A_48 = arith.constant 0 : i32
    %sign3A_49 = arith.cmpi slt, %jit3A, %sign3A_48 : i32
    %sign3A_50 = arith.extui %sign3A_49 : i1 to i32
    %sign3A_51 = arith.subi %sign3A_47, %sign3A_50 : i32
    %ne3A = vector.broadcast %sign3A_51 : i32 to vector<128x128xi32>
    %ne3A_52 = arith.cmpi ne, %sign3A_44, %ne3A : vector<128x128xi32>
    %rem3A = vector.broadcast %jit3A : i32 to vector<128x128xi32>
    %rem3A_53 = arith.remsi %iota3A, %rem3A : vector<128x128xi32>
    %ne3A_54 = arith.constant 0 : i32
    %ne3A_55 = vector.broadcast %ne3A_54 : i32 to vector<128x128xi32>
    %ne3A_56 = arith.cmpi ne, %rem3A_53, %ne3A_55 : vector<128x128xi32>
    %and3A = arith.andi %ne3A_52, %ne3A_56 : vector<128x128xi1>
    %sub3A = arith.constant 1 : i32
    %sub3A_57 = vector.broadcast %sub3A : i32 to vector<128x128xi32>
    %sub3A_58 = arith.subi %div3A_36, %sub3A_57 : vector<128x128xi32>
    %select_n3A = arith.select %and3A, %sub3A_58, %div3A_36 : vector<128x128xi1>, vector<128x128xi32>
    %iota3A_59 = tpu.iota {dimensions = array<i32: 1>} : vector<128x128xi32>
    %jit3A_60 = arith.constant 16 : i32
    %div3A_61 = vector.broadcast %jit3A_60 : i32 to vector<128x128xi32>
    %div3A_62 = arith.divsi %iota3A_59, %div3A_61 : vector<128x128xi32>
    %sign3A_63 = arith.constant 0 : i32
    %sign3A_64 = vector.broadcast %sign3A_63 : i32 to vector<128x128xi32>
    %sign3A_65 = arith.cmpi sgt, %iota3A_59, %sign3A_64 : vector<128x128xi32>
    %sign3A_66 = arith.extui %sign3A_65 : vector<128x128xi1> to vector<128x128xi32>
    %sign3A_67 = arith.constant 0 : i32
    %sign3A_68 = vector.broadcast %sign3A_67 : i32 to vector<128x128xi32>
    %sign3A_69 = arith.cmpi slt, %iota3A_59, %sign3A_68 : vector<128x128xi32>
    %sign3A_70 = arith.extui %sign3A_69 : vector<128x128xi1> to vector<128x128xi32>
    %sign3A_71 = arith.subi %sign3A_66, %sign3A_70 : vector<128x128xi32>
    %sign3A_72 = arith.constant 0 : i32
    %sign3A_73 = arith.cmpi sgt, %jit3A_60, %sign3A_72 : i32
    %sign3A_74 = arith.extui %sign3A_73 : i1 to i32
    %sign3A_75 = arith.constant 0 : i32
    %sign3A_76 = arith.cmpi slt, %jit3A_60, %sign3A_75 : i32
    %sign3A_77 = arith.extui %sign3A_76 : i1 to i32
    %sign3A_78 = arith.subi %sign3A_74, %sign3A_77 : i32
    %ne3A_79 = vector.broadcast %sign3A_78 : i32 to vector<128x128xi32>
    %ne3A_80 = arith.cmpi ne, %sign3A_71, %ne3A_79 : vector<128x128xi32>
    %rem3A_81 = vector.broadcast %jit3A_60 : i32 to vector<128x128xi32>
    %rem3A_82 = arith.remsi %iota3A_59, %rem3A_81 : vector<128x128xi32>
    %ne3A_83 = arith.constant 0 : i32
    %ne3A_84 = vector.broadcast %ne3A_83 : i32 to vector<128x128xi32>
    %ne3A_85 = arith.cmpi ne, %rem3A_82, %ne3A_84 : vector<128x128xi32>
    %and3A_86 = arith.andi %ne3A_80, %ne3A_85 : vector<128x128xi1>
    %sub3A_87 = arith.constant 1 : i32
    %sub3A_88 = vector.broadcast %sub3A_87 : i32 to vector<128x128xi32>
    %sub3A_89 = arith.subi %div3A_62, %sub3A_88 : vector<128x128xi32>
    %select_n3A_90 = arith.select %and3A_86, %sub3A_89, %div3A_62 : vector<128x128xi1>, vector<128x128xi32>
    %eq3A = arith.cmpi eq, %select_n3A, %select_n3A_90 : vector<128x128xi32>
    %jit3A_91 = arith.constant 0.000000e+00 : f32
    %broadcast_in_dim3A = vector.broadcast %jit3A_91 : f32 to vector<128x128xf32>
    %select_n3A_92 = arith.select %eq3A, %concatenate3A_34, %broadcast_in_dim3A : vector<128x128xi1>, vector<128x128xf32>
    %dot_general3A = arith.constant dense<0.000000e+00> : vector<1264x128xf32>
    %dot_general3A_93 = tpu.matmul %max3A_29, %select_n3A_92, %dot_general3A {dimension_numbers = #tpu.dot_dimension_numbers<[1], [0], [0], [1], [0, 0, 1, 1], [], []>, transpose_lhs_hint = false} : vector<1264x128xf32>, vector<128x128xf32>, vector<1264x128xf32> -> vector<1264x128xf32>
    %swap3A = arith.constant 0 : index
    %swap3A_94 = arith.constant 0 : index
    %swap3A_95 = vector.load %arg4[%swap3A, %swap3A_94] : memref<1264x128xf32, #tpu.memory_space<vmem>>, vector<1264x128xf32>
    tpu.vector_store %arg4[%swap3A, %swap3A_94], %dot_general3A_93 {strides = array<i32>} : memref<1264x128xf32, #tpu.memory_space<vmem>>, vector<1264x128xf32>,
    return
  }
}

module attributes {stable_mosaic.version = 14 : i64} {
  func.func @body(%arg0: memref<2x1264x128xf32, #tpu.memory_space<vmem>>, %arg1: memref<2x1264x128xf32, #tpu.memory_space<vmem>>, %arg2: memref<1x16xf32, #tpu.memory_space<vmem>>, %arg3: memref<8x1264xi32, #tpu.memory_space<vmem>>, %arg4: memref<16x1xf32, #tpu.memory_space<vmem>>, %arg5: memref<1x1xf32, #tpu.memory_space<vmem>>, %arg6: memref<64x1xf32, #tpu.memory_space<vmem>>) attributes {dimension_semantics = [], scalar_prefetch = 0 : i64, scratch_operands = 0 : i64, tpu.core_type = #tpu.core_type<tc>} {
    %get3A = arith.constant 0 : index
    %get3A_0 = arith.constant 0 : index
    %get3A_1 = arith.constant 0 : index
    %get3A_2 = vector.load %arg1[%get3A, %get3A_0, %get3A_1] : memref<2x1264x128xf32, #tpu.memory_space<vmem>>, vector<1x1264x128xf32>
    %get3A_3 = vector.shape_cast %get3A_2 : vector<1x1264x128xf32> to vector<1264x128xf32>
    %get3A_4 = arith.constant 1 : index
    %get3A_5 = arith.constant 0 : index
    %get3A_6 = arith.constant 0 : index
    %get3A_7 = vector.load %arg1[%get3A_4, %get3A_5, %get3A_6] : memref<2x1264x128xf32, #tpu.memory_space<vmem>>, vector<1x1264x128xf32>
    %get3A_8 = vector.shape_cast %get3A_7 : vector<1x1264x128xf32> to vector<1264x128xf32>
    %add3A = arith.addf %get3A_3, %get3A_8 : vector<1264x128xf32>
    %max3A = arith.constant 1.000000e+00 : f32
    %max3A_9 = vector.broadcast %max3A : f32 to vector<1264x128xf32>
    %max3A_10 = arith.maximumf %add3A, %max3A_9 : vector<1264x128xf32>
    %get3A_11 = arith.constant 0 : index
    %get3A_12 = arith.constant 0 : index
    %get3A_13 = arith.constant 0 : index
    %get3A_14 = vector.load %arg0[%get3A_11, %get3A_12, %get3A_13] : memref<2x1264x128xf32, #tpu.memory_space<vmem>>, vector<1x1264x128xf32>
    %get3A_15 = vector.shape_cast %get3A_14 : vector<1x1264x128xf32> to vector<1264x128xf32>
    %get3A_16 = arith.constant 1 : index
    %get3A_17 = arith.constant 0 : index
    %get3A_18 = arith.constant 0 : index
    %get3A_19 = vector.load %arg0[%get3A_16, %get3A_17, %get3A_18] : memref<2x1264x128xf32, #tpu.memory_space<vmem>>, vector<1x1264x128xf32>
    %get3A_20 = vector.shape_cast %get3A_19 : vector<1x1264x128xf32> to vector<1264x128xf32>
    %add3A_21 = arith.addf %get3A_15, %get3A_20 : vector<1264x128xf32>
    %div3A = arith.divf %add3A_21, %max3A_10 : vector<1264x128xf32>
    %get3A_22 = arith.constant 0 : index
    %get3A_23 = arith.constant 0 : index
    %get3A_24 = vector.load %arg2[%get3A_22, %get3A_23] : memref<1x16xf32, #tpu.memory_space<vmem>>, vector<1x16xf32>
    %concatenate3A = tpu.concatenate %get3A_24, %get3A_24, %get3A_24, %get3A_24, %get3A_24, %get3A_24, %get3A_24, %get3A_24 in 1 : vector<1x16xf32>, vector<1x16xf32>, vector<1x16xf32>, vector<1x16xf32>, vector<1x16xf32>, vector<1x16xf32>, vector<1x16xf32>, vector<1x16xf32> -> vector<1x128xf32>
    %add3A_25 = vector.broadcast %concatenate3A : vector<1x128xf32> to vector<1264x128xf32>
    %add3A_26 = arith.addf %div3A, %add3A_25 : vector<1264x128xf32>
    %max3A_27 = arith.constant 0.000000e+00 : f32
    %max3A_28 = vector.broadcast %max3A_27 : f32 to vector<1264x128xf32>
    %max3A_29 = arith.maximumf %add3A_26, %max3A_28 : vector<1264x128xf32>
    %iota3A = tpu.iota {dimensions = array<i32: 0>} : vector<64x1264xi32>
    %broadcast_in_dim3A = arith.constant 0.000000e+00 : f32
    %broadcast_in_dim3A_30 = vector.broadcast %broadcast_in_dim3A : f32 to vector<64x16xf32>
    %broadcast_in_dim3A_31 = arith.constant 0.000000e+00 : f32
    %broadcast_in_dim3A_32 = vector.broadcast %broadcast_in_dim3A_31 : f32 to vector<64x16xf32>
    %broadcast_in_dim3A_33 = arith.constant 1.000000e+00 : f32
    %broadcast_in_dim3A_34 = vector.broadcast %broadcast_in_dim3A_33 : f32 to vector<1264x16xf32>
    %get3A_35 = arith.constant 0 : index
    %get3A_36 = arith.constant 0 : index
    %get3A_37 = vector.load %arg3[%get3A_35, %get3A_36] : memref<8x1264xi32, #tpu.memory_space<vmem>>, vector<1x1264xi32>
    %eq3A = vector.broadcast %get3A_37 : vector<1x1264xi32> to vector<64x1264xi32>
    %eq3A_38 = arith.cmpi eq, %eq3A, %iota3A : vector<64x1264xi32>
    %jit3A = arith.constant 1.000000e+00 : f32
    %jit3A_39 = arith.constant 0.000000e+00 : f32
    %broadcast_in_dim3A_40 = vector.broadcast %jit3A : f32 to vector<64x1264xf32>
    %broadcast_in_dim3A_41 = vector.broadcast %jit3A_39 : f32 to vector<64x1264xf32>
    %select_n3A = arith.select %eq3A_38, %broadcast_in_dim3A_40, %broadcast_in_dim3A_41 : vector<64x1264xi1>, vector<64x1264xf32>
    %slice3A = vector.extract_strided_slice %max3A_29 {offsets = [0, 0], sizes = [1264, 16], strides = [1, 1]} : vector<1264x128xf32> to vector<1264x16xf32>
    %dot_general3A = arith.constant dense<0.000000e+00> : vector<64x16xf32>
    %dot_general3A_42 = tpu.matmul %select_n3A, %slice3A, %dot_general3A {dimension_numbers = #tpu.dot_dimension_numbers<[1], [0], [0], [1], [0, 0, 1, 1], [], []>, transpose_lhs_hint = false} : vector<64x1264xf32>, vector<1264x16xf32>, vector<64x16xf32> -> vector<64x16xf32>
    %add3A_43 = arith.addf %broadcast_in_dim3A_30, %dot_general3A_42 : vector<64x16xf32>
    %dot_general3A_44 = arith.constant dense<0.000000e+00> : vector<64x16xf32>
    %dot_general3A_45 = tpu.matmul %select_n3A, %broadcast_in_dim3A_34, %dot_general3A_44 {dimension_numbers = #tpu.dot_dimension_numbers<[1], [0], [0], [1], [0, 0, 1, 1], [], []>, transpose_lhs_hint = false} : vector<64x1264xf32>, vector<1264x16xf32>, vector<64x16xf32> -> vector<64x16xf32>
    %add3A_46 = arith.addf %broadcast_in_dim3A_32, %dot_general3A_45 : vector<64x16xf32>
    %get3A_47 = arith.constant 1 : index
    %get3A_48 = arith.constant 0 : index
    %get3A_49 = vector.load %arg3[%get3A_47, %get3A_48] : memref<8x1264xi32, #tpu.memory_space<vmem>>, vector<1x1264xi32>
    %eq3A_50 = vector.broadcast %get3A_49 : vector<1x1264xi32> to vector<64x1264xi32>
    %eq3A_51 = arith.cmpi eq, %eq3A_50, %iota3A : vector<64x1264xi32>
    %jit3A_52 = arith.constant 1.000000e+00 : f32
    %jit3A_53 = arith.constant 0.000000e+00 : f32
    %broadcast_in_dim3A_54 = vector.broadcast %jit3A_52 : f32 to vector<64x1264xf32>
    %broadcast_in_dim3A_55 = vector.broadcast %jit3A_53 : f32 to vector<64x1264xf32>
    %select_n3A_56 = arith.select %eq3A_51, %broadcast_in_dim3A_54, %broadcast_in_dim3A_55 : vector<64x1264xi1>, vector<64x1264xf32>
    %slice3A_57 = vector.extract_strided_slice %max3A_29 {offsets = [0, 16], sizes = [1264, 16], strides = [1, 1]} : vector<1264x128xf32> to vector<1264x16xf32>
    %dot_general3A_58 = arith.constant dense<0.000000e+00> : vector<64x16xf32>
    %dot_general3A_59 = tpu.matmul %select_n3A_56, %slice3A_57, %dot_general3A_58 {dimension_numbers = #tpu.dot_dimension_numbers<[1], [0], [0], [1], [0, 0, 1, 1], [], []>, transpose_lhs_hint = false} : vector<64x1264xf32>, vector<1264x16xf32>, vector<64x16xf32> -> vector<64x16xf32>
    %add3A_60 = arith.addf %add3A_43, %dot_general3A_59 : vector<64x16xf32>
    %dot_general3A_61 = arith.constant dense<0.000000e+00> : vector<64x16xf32>
    %dot_general3A_62 = tpu.matmul %select_n3A_56, %broadcast_in_dim3A_34, %dot_general3A_61 {dimension_numbers = #tpu.dot_dimension_numbers<[1], [0], [0], [1], [0, 0, 1, 1], [], []>, transpose_lhs_hint = false} : vector<64x1264xf32>, vector<1264x16xf32>, vector<64x16xf32> -> vector<64x16xf32>
    %add3A_63 = arith.addf %add3A_46, %dot_general3A_62 : vector<64x16xf32>
    %get3A_64 = arith.constant 2 : index
    %get3A_65 = arith.constant 0 : index
    %get3A_66 = vector.load %arg3[%get3A_64, %get3A_65] : memref<8x1264xi32, #tpu.memory_space<vmem>>, vector<1x1264xi32>
    %eq3A_67 = vector.broadcast %get3A_66 : vector<1x1264xi32> to vector<64x1264xi32>
    %eq3A_68 = arith.cmpi eq, %eq3A_67, %iota3A : vector<64x1264xi32>
    %jit3A_69 = arith.constant 1.000000e+00 : f32
    %jit3A_70 = arith.constant 0.000000e+00 : f32
    %broadcast_in_dim3A_71 = vector.broadcast %jit3A_69 : f32 to vector<64x1264xf32>
    %broadcast_in_dim3A_72 = vector.broadcast %jit3A_70 : f32 to vector<64x1264xf32>
    %select_n3A_73 = arith.select %eq3A_68, %broadcast_in_dim3A_71, %broadcast_in_dim3A_72 : vector<64x1264xi1>, vector<64x1264xf32>
    %slice3A_74 = vector.extract_strided_slice %max3A_29 {offsets = [0, 32], sizes = [1264, 16], strides = [1, 1]} : vector<1264x128xf32> to vector<1264x16xf32>
    %dot_general3A_75 = arith.constant dense<0.000000e+00> : vector<64x16xf32>
    %dot_general3A_76 = tpu.matmul %select_n3A_73, %slice3A_74, %dot_general3A_75 {dimension_numbers = #tpu.dot_dimension_numbers<[1], [0], [0], [1], [0, 0, 1, 1], [], []>, transpose_lhs_hint = false} : vector<64x1264xf32>, vector<1264x16xf32>, vector<64x16xf32> -> vector<64x16xf32>
    %add3A_77 = arith.addf %add3A_60, %dot_general3A_76 : vector<64x16xf32>
    %dot_general3A_78 = arith.constant dense<0.000000e+00> : vector<64x16xf32>
    %dot_general3A_79 = tpu.matmul %select_n3A_73, %broadcast_in_dim3A_34, %dot_general3A_78 {dimension_numbers = #tpu.dot_dimension_numbers<[1], [0], [0], [1], [0, 0, 1, 1], [], []>, transpose_lhs_hint = false} : vector<64x1264xf32>, vector<1264x16xf32>, vector<64x16xf32> -> vector<64x16xf32>
    %add3A_80 = arith.addf %add3A_63, %dot_general3A_79 : vector<64x16xf32>
    %get3A_81 = arith.constant 3 : index
    %get3A_82 = arith.constant 0 : index
    %get3A_83 = vector.load %arg3[%get3A_81, %get3A_82] : memref<8x1264xi32, #tpu.memory_space<vmem>>, vector<1x1264xi32>
    %eq3A_84 = vector.broadcast %get3A_83 : vector<1x1264xi32> to vector<64x1264xi32>
    %eq3A_85 = arith.cmpi eq, %eq3A_84, %iota3A : vector<64x1264xi32>
    %jit3A_86 = arith.constant 1.000000e+00 : f32
    %jit3A_87 = arith.constant 0.000000e+00 : f32
    %broadcast_in_dim3A_88 = vector.broadcast %jit3A_86 : f32 to vector<64x1264xf32>
    %broadcast_in_dim3A_89 = vector.broadcast %jit3A_87 : f32 to vector<64x1264xf32>
    %select_n3A_90 = arith.select %eq3A_85, %broadcast_in_dim3A_88, %broadcast_in_dim3A_89 : vector<64x1264xi1>, vector<64x1264xf32>
    %slice3A_91 = vector.extract_strided_slice %max3A_29 {offsets = [0, 48], sizes = [1264, 16], strides = [1, 1]} : vector<1264x128xf32> to vector<1264x16xf32>
    %dot_general3A_92 = arith.constant dense<0.000000e+00> : vector<64x16xf32>
    %dot_general3A_93 = tpu.matmul %select_n3A_90, %slice3A_91, %dot_general3A_92 {dimension_numbers = #tpu.dot_dimension_numbers<[1], [0], [0], [1], [0, 0, 1, 1], [], []>, transpose_lhs_hint = false} : vector<64x1264xf32>, vector<1264x16xf32>, vector<64x16xf32> -> vector<64x16xf32>
    %add3A_94 = arith.addf %add3A_77, %dot_general3A_93 : vector<64x16xf32>
    %dot_general3A_95 = arith.constant dense<0.000000e+00> : vector<64x16xf32>
    %dot_general3A_96 = tpu.matmul %select_n3A_90, %broadcast_in_dim3A_34, %dot_general3A_95 {dimension_numbers = #tpu.dot_dimension_numbers<[1], [0], [0], [1], [0, 0, 1, 1], [], []>, transpose_lhs_hint = false} : vector<64x1264xf32>, vector<1264x16xf32>, vector<64x16xf32> -> vector<64x16xf32>
    %add3A_97 = arith.addf %add3A_80, %dot_general3A_96 : vector<64x16xf32>
    %get3A_98 = arith.constant 4 : index
    %get3A_99 = arith.constant 0 : index
    %get3A_100 = vector.load %arg3[%get3A_98, %get3A_99] : memref<8x1264xi32, #tpu.memory_space<vmem>>, vector<1x1264xi32>
    %eq3A_101 = vector.broadcast %get3A_100 : vector<1x1264xi32> to vector<64x1264xi32>
    %eq3A_102 = arith.cmpi eq, %eq3A_101, %iota3A : vector<64x1264xi32>
    %jit3A_103 = arith.constant 1.000000e+00 : f32
    %jit3A_104 = arith.constant 0.000000e+00 : f32
    %broadcast_in_dim3A_105 = vector.broadcast %jit3A_103 : f32 to vector<64x1264xf32>
    %broadcast_in_dim3A_106 = vector.broadcast %jit3A_104 : f32 to vector<64x1264xf32>
    %select_n3A_107 = arith.select %eq3A_102, %broadcast_in_dim3A_105, %broadcast_in_dim3A_106 : vector<64x1264xi1>, vector<64x1264xf32>
    %slice3A_108 = vector.extract_strided_slice %max3A_29 {offsets = [0, 64], sizes = [1264, 16], strides = [1, 1]} : vector<1264x128xf32> to vector<1264x16xf32>
    %dot_general3A_109 = arith.constant dense<0.000000e+00> : vector<64x16xf32>
    %dot_general3A_110 = tpu.matmul %select_n3A_107, %slice3A_108, %dot_general3A_109 {dimension_numbers = #tpu.dot_dimension_numbers<[1], [0], [0], [1], [0, 0, 1, 1], [], []>, transpose_lhs_hint = false} : vector<64x1264xf32>, vector<1264x16xf32>, vector<64x16xf32> -> vector<64x16xf32>
    %add3A_111 = arith.addf %add3A_94, %dot_general3A_110 : vector<64x16xf32>
    %dot_general3A_112 = arith.constant dense<0.000000e+00> : vector<64x16xf32>
    %dot_general3A_113 = tpu.matmul %select_n3A_107, %broadcast_in_dim3A_34, %dot_general3A_112 {dimension_numbers = #tpu.dot_dimension_numbers<[1], [0], [0], [1], [0, 0, 1, 1], [], []>, transpose_lhs_hint = false} : vector<64x1264xf32>, vector<1264x16xf32>, vector<64x16xf32> -> vector<64x16xf32>
    %add3A_114 = arith.addf %add3A_97, %dot_general3A_113 : vector<64x16xf32>
    %get3A_115 = arith.constant 5 : index
    %get3A_116 = arith.constant 0 : index
    %get3A_117 = vector.load %arg3[%get3A_115, %get3A_116] : memref<8x1264xi32, #tpu.memory_space<vmem>>, vector<1x1264xi32>
    %eq3A_118 = vector.broadcast %get3A_117 : vector<1x1264xi32> to vector<64x1264xi32>
    %eq3A_119 = arith.cmpi eq, %eq3A_118, %iota3A : vector<64x1264xi32>
    %jit3A_120 = arith.constant 1.000000e+00 : f32
    %jit3A_121 = arith.constant 0.000000e+00 : f32
    %broadcast_in_dim3A_122 = vector.broadcast %jit3A_120 : f32 to vector<64x1264xf32>
    %broadcast_in_dim3A_123 = vector.broadcast %jit3A_121 : f32 to vector<64x1264xf32>
    %select_n3A_124 = arith.select %eq3A_119, %broadcast_in_dim3A_122, %broadcast_in_dim3A_123 : vector<64x1264xi1>, vector<64x1264xf32>
    %slice3A_125 = vector.extract_strided_slice %max3A_29 {offsets = [0, 80], sizes = [1264, 16], strides = [1, 1]} : vector<1264x128xf32> to vector<1264x16xf32>
    %dot_general3A_126 = arith.constant dense<0.000000e+00> : vector<64x16xf32>
    %dot_general3A_127 = tpu.matmul %select_n3A_124, %slice3A_125, %dot_general3A_126 {dimension_numbers = #tpu.dot_dimension_numbers<[1], [0], [0], [1], [0, 0, 1, 1], [], []>, transpose_lhs_hint = false} : vector<64x1264xf32>, vector<1264x16xf32>, vector<64x16xf32> -> vector<64x16xf32>
    %add3A_128 = arith.addf %add3A_111, %dot_general3A_127 : vector<64x16xf32>
    %dot_general3A_129 = arith.constant dense<0.000000e+00> : vector<64x16xf32>
    %dot_general3A_130 = tpu.matmul %select_n3A_124, %broadcast_in_dim3A_34, %dot_general3A_129 {dimension_numbers = #tpu.dot_dimension_numbers<[1], [0], [0], [1], [0, 0, 1, 1], [], []>, transpose_lhs_hint = false} : vector<64x1264xf32>, vector<1264x16xf32>, vector<64x16xf32> -> vector<64x16xf32>
    %add3A_131 = arith.addf %add3A_114, %dot_general3A_130 : vector<64x16xf32>
    %get3A_132 = arith.constant 6 : index
    %get3A_133 = arith.constant 0 : index
    %get3A_134 = vector.load %arg3[%get3A_132, %get3A_133] : memref<8x1264xi32, #tpu.memory_space<vmem>>, vector<1x1264xi32>
    %eq3A_135 = vector.broadcast %get3A_134 : vector<1x1264xi32> to vector<64x1264xi32>
    %eq3A_136 = arith.cmpi eq, %eq3A_135, %iota3A : vector<64x1264xi32>
    %jit3A_137 = arith.constant 1.000000e+00 : f32
    %jit3A_138 = arith.constant 0.000000e+00 : f32
    %broadcast_in_dim3A_139 = vector.broadcast %jit3A_137 : f32 to vector<64x1264xf32>
    %broadcast_in_dim3A_140 = vector.broadcast %jit3A_138 : f32 to vector<64x1264xf32>
    %select_n3A_141 = arith.select %eq3A_136, %broadcast_in_dim3A_139, %broadcast_in_dim3A_140 : vector<64x1264xi1>, vector<64x1264xf32>
    %slice3A_142 = vector.extract_strided_slice %max3A_29 {offsets = [0, 96], sizes = [1264, 16], strides = [1, 1]} : vector<1264x128xf32> to vector<1264x16xf32>
    %dot_general3A_143 = arith.constant dense<0.000000e+00> : vector<64x16xf32>
    %dot_general3A_144 = tpu.matmul %select_n3A_141, %slice3A_142, %dot_general3A_143 {dimension_numbers = #tpu.dot_dimension_numbers<[1], [0], [0], [1], [0, 0, 1, 1], [], []>, transpose_lhs_hint = false} : vector<64x1264xf32>, vector<1264x16xf32>, vector<64x16xf32> -> vector<64x16xf32>
    %add3A_145 = arith.addf %add3A_128, %dot_general3A_144 : vector<64x16xf32>
    %dot_general3A_146 = arith.constant dense<0.000000e+00> : vector<64x16xf32>
    %dot_general3A_147 = tpu.matmul %select_n3A_141, %broadcast_in_dim3A_34, %dot_general3A_146 {dimension_numbers = #tpu.dot_dimension_numbers<[1], [0], [0], [1], [0, 0, 1, 1], [], []>, transpose_lhs_hint = false} : vector<64x1264xf32>, vector<1264x16xf32>, vector<64x16xf32> -> vector<64x16xf32>
    %add3A_148 = arith.addf %add3A_131, %dot_general3A_147 : vector<64x16xf32>
    %get3A_149 = arith.constant 7 : index
    %get3A_150 = arith.constant 0 : index
    %get3A_151 = vector.load %arg3[%get3A_149, %get3A_150] : memref<8x1264xi32, #tpu.memory_space<vmem>>, vector<1x1264xi32>
    %eq3A_152 = vector.broadcast %get3A_151 : vector<1x1264xi32> to vector<64x1264xi32>
    %eq3A_153 = arith.cmpi eq, %eq3A_152, %iota3A : vector<64x1264xi32>
    %jit3A_154 = arith.constant 1.000000e+00 : f32
    %jit3A_155 = arith.constant 0.000000e+00 : f32
    %broadcast_in_dim3A_156 = vector.broadcast %jit3A_154 : f32 to vector<64x1264xf32>
    %broadcast_in_dim3A_157 = vector.broadcast %jit3A_155 : f32 to vector<64x1264xf32>
    %select_n3A_158 = arith.select %eq3A_153, %broadcast_in_dim3A_156, %broadcast_in_dim3A_157 : vector<64x1264xi1>, vector<64x1264xf32>
    %slice3A_159 = vector.extract_strided_slice %max3A_29 {offsets = [0, 112], sizes = [1264, 16], strides = [1, 1]} : vector<1264x128xf32> to vector<1264x16xf32>
    %dot_general3A_160 = arith.constant dense<0.000000e+00> : vector<64x16xf32>
    %dot_general3A_161 = tpu.matmul %select_n3A_158, %slice3A_159, %dot_general3A_160 {dimension_numbers = #tpu.dot_dimension_numbers<[1], [0], [0], [1], [0, 0, 1, 1], [], []>, transpose_lhs_hint = false} : vector<64x1264xf32>, vector<1264x16xf32>, vector<64x16xf32> -> vector<64x16xf32>
    %add3A_162 = arith.addf %add3A_145, %dot_general3A_161 : vector<64x16xf32>
    %dot_general3A_163 = arith.constant dense<0.000000e+00> : vector<64x16xf32>
    %dot_general3A_164 = tpu.matmul %select_n3A_158, %broadcast_in_dim3A_34, %dot_general3A_163 {dimension_numbers = #tpu.dot_dimension_numbers<[1], [0], [0], [1], [0, 0, 1, 1], [], []>, transpose_lhs_hint = false} : vector<64x1264xf32>, vector<1264x16xf32>, vector<64x16xf32> -> vector<64x16xf32>
    %add3A_165 = arith.addf %add3A_148, %dot_general3A_164 : vector<64x16xf32>
    %max3A_166 = arith.constant 1.000000e+00 : f32
    %max3A_167 = vector.broadcast %max3A_166 : f32 to vector<64x16xf32>
    %max3A_168 = arith.maximumf %add3A_165, %max3A_167 : vector<64x16xf32>
    %div3A_169 = arith.divf %add3A_162, %max3A_168 : vector<64x16xf32>
    %get3A_170 = arith.constant 0 : index
    %get3A_171 = arith.constant 0 : index
    %get3A_172 = vector.load %arg4[%get3A_170, %get3A_171] : memref<16x1xf32, #tpu.memory_space<vmem>>, vector<16x1xf32>
    %dot_general3A_173 = arith.constant dense<0.000000e+00> : vector<64x1xf32>
    %dot_general3A_174 = tpu.matmul %div3A_169, %get3A_172, %dot_general3A_173 {dimension_numbers = #tpu.dot_dimension_numbers<[1], [0], [0], [1], [0, 0, 1, 1], [], []>, transpose_lhs_hint = false} : vector<64x16xf32>, vector<16x1xf32>, vector<64x1xf32> -> vector<64x1xf32>
    %get3A_175 = arith.constant 0 : index
    %get3A_176 = arith.constant 0 : index
    %get3A_177 = vector.load %arg5[%get3A_175, %get3A_176] : memref<1x1xf32, #tpu.memory_space<vmem>>, vector<1x1xf32>
    %add3A_178 = vector.broadcast %get3A_177 : vector<1x1xf32> to vector<64x1xf32>
    %add3A_179 = arith.addf %dot_general3A_174, %add3A_178 : vector<64x1xf32>
    %swap3A = arith.constant 0 : index
    %swap3A_180 = arith.constant 0 : index
    %swap3A_181 = vector.load %arg6[%swap3A, %swap3A_180] : memref<64x1xf32, #tpu.memory_space<vmem>>, vector<64x1xf32>
    tpu.vector_store %arg6[%swap3A, %swap3A_180], %add3A_179 {strides = array<i32>} : memref<64x1xf32, #tpu.memory_space<vmem>>, vector<64x1xf32>,
    return
  }
}

</mosaic_0001>

<sc_bundles>
// kernel: kernel.10.cloned.1.call-start
scs
__scs_entry_jumppad:
0x0: {  	(pc) =	sbr.rel $0x88, $3  }
0x1: {  	(tag) =	ssettag $0x0;
	lr =	simm.s32 $0x1  }
0x2: {  	[smem:$0x3F98] =	sst lr;
	_ =	strace $0xD0000000  }
0x3: {  	_ = 	snop  }
0x4: {  	_ = 	snop  }
0x5: {  	_ = 	snop  }
0x6: {  	_ = 	snop  }
0x7: {  	_ = 	snop  }
__scs_overlays_trampoline_lowered:
0x8: {  	[smem:$0x3FA7] =	sst s0  }
0x9: {  	[smem:$0x3FA8] =	sst s1  }
0xa: {  	[smem:$0x3FA9] =	sst s2  }
0xb: {  	[smem:$0x3FAA] =	sst s3  }
0xc: {  	[smem:$0x3FAB] =	sst s4  }
0xd: {  	[smem:$0x3FAC] =	sst s5  }
0xe: {  	[smem:$0x3FAD] =	sst s6  }
0xf: {  	[smem:$0x3FAE] =	sst s7  }
0x10: {  	[smem:$0x3FAF] =	sst s8  }
0x11: {  	[smem:$0x3FB0] =	sst s9;
	s0 =	simm.s32 @!p0 $0x0  }
0x12: {  	s1 =	sld [smem:$0x3F96];
	s0 =	simm.s32 @p0 $0x1  }
0x13: {  	[smem:$0x3FB1] =	sst s0;
	s0 =	simm.s32 @!p1 $0x0  }
0x14: {  	s2 =	sld [smem:$0x3F95];
	s0 =	simm.s32 @p1 $0x1  }
0x15: {  	[smem:$0x3FB2] =	sst s0;
	s0 =	simm.s32 @!p2 $0x0  }
0x16: {  	s3 =	sld [smem:$0x3FDB];
	s0 =	simm.s32 @p2 $0x1  }
0x17: {  	s4 =	simm.s32 $0x1BF5;
	[smem:$0x3FB4] =	sst s0  }
0x18: {  	s0 =	sld [smem:$0x3F97];
	_ =	swait.ge [sflag:s4], $0x0  }
0x19: {  	s7 =	sld [smem:$0x3F98]  }
0x1a: {  	s8 =	sadd.s32 $0xFFFFE003, lr  }
0x1b: {  	s9 =	sadd.s32 $0xFFFFFEF7, lr;
	s5 =	simm.s32 $0xFFFFFFFF;
	p2 =	slt.u32 s8, $0xFFFFF086  }
0x1c: {  	p1 =	slt.u32 s9, $0xF7A;
	s5 =	simm.s32 @!p2 $0x0  }
0x1d: {  	s5 =	simm.s32 @p1 $0x1;
	p0 =	seq.s32 s7, s2  }
0x1e: {  	s7 =	smul.u32 @!p0 $0xF7A, s2;
	p2 =	seq.s32 @!p0 s5, $0x0  }
0x1f: {  	s9 =	smul.u32 $0xF7A, s1;
	s8 =	simm.s32 @!p0 $0x1BF5;
	p2 =	por !p2, p0  }
0x20: {  	[sflag:s8] =	ssyncset.s32 @!p0 $0xFFFFF086;
	s6 =	sadd.s32 @!p0 s3, s7;
	s7 =	simm.s32 @!p0 $0x108  }
0x21: {  	s3 =	sadd.s32 s3, s9;
	s6 =	sadd.s32 @!p0 $0x88, s6;
	s7 =	simm.s32 @p2 $0x1082  }
0x22: {  	[simem:s7], [sflag:s8] =	dma.local @!p0 [hbm:s6], $0xF7A  }
0x23: {  	s9 =	sor.u32 $0xD0000000, s2;
	s6 =	simm.s32 $0x108;
	_ =	swait.ge @!p0 [sflag:s8], $0x0  }
0x24: {  	s3 =	sadd.s32 $0x88, s3;
	s6 =	simm.s32 @!p1 $0x1082;
	[sflag:s4] =	ssyncset.s32 $0xFFFFF086  }
0x25: {  	[simem:s6], [sflag:s4] =	dma.local [hbm:s3], $0xF7A  }
0x26: {  	[smem:$0x3F98] =	sst s1;
	(tag) =	ssettag s2;
	_ =	strace s9  }
0x27: {  	s1 =	sld [smem:$0x3FA8]  }
0x28: {  	s2 =	sld [smem:$0x3FA9]  }
0x29: {  	s4 =	sld [smem:$0x3FAB]  }
0x2a: {  	p0 =	seq.s32 s5, $0x0;
	s5 =	sld [smem:$0x3FAC]  }
0x2b: {  	s6 =	sld [smem:$0x3FAD]  }
0x2c: {  	s7 =	sld [smem:$0x3FAE]  }
0x2d: {  	s3 =	simm.s32 $0x108;
	s8 =	sld [smem:$0x3FAF]  }
0x2e: {  	s3 =	simm.s32 @!p0 $0x1082;
	s9 =	sld [smem:$0x3FB0]  }
0x2f: {  	lr =	sadd.s32 s0, s3;
	s0 =	sld [smem:$0x3FA7]  }
0x30: {  	s3 =	sld [smem:$0x3FAA]  }
0x31: {  	[smem:$0x3FB3] =	sst s10  }
0x32: {  	s10 =	sld [smem:$0x3FB1];
	_ =	sdelay $0x3  }
0x33: {  	p0 =	seq.s32 s10, $0x1;
	s10 =	sld [smem:$0x3FB3];
	_ =	sdelay $0x3  }
0x34: {  	[smem:$0x3FB3] =	sst s10  }
0x35: {  	s10 =	sld [smem:$0x3FB2];
	_ =	sdelay $0x3  }
0x36: {  	p1 =	seq.s32 s10, $0x1;
	s10 =	sld [smem:$0x3FB3];
	_ =	sdelay $0x3  }
0x37: {  	[smem:$0x3FB3] =	sst s10  }
0x38: {  	s10 =	sld [smem:$0x3FB4]  }
0x39: {  	_ = 	snop;
	(pc) =	sbr.ind lr, $3  }
0x3a: {  	_ = 	snop  }
0x3b: {  	_ = 	snop  }
0x3c: {  	p2 =	seq.s32 s10, $0x1;
	s10 =	sld [smem:$0x3FB3]  }
0x3d: {  	_ =	shalt  }
0x3e: {  	_ =	shalt  }
0x3f: {  	_ =	shalt  }
0x40: {  	_ =	shalt  }
0x41: {  	_ =	shalt  }
0x42: {  	_ =	shalt  }
0x43: {  	_ =	shalt  }
0x44: {  	_ =	shalt  }
0x45: {  	_ =	shalt  }
0x46: {  	_ =	shalt  }
0x47: {  	_ =	shalt  }
0x48: {  	_ =	shalt  }
0x49: {  	_ =	shalt  }
0x4a: {  	_ =	shalt  }
0x4b: {  	_ =	shalt  }
0x4c: {  	_ =	shalt  }
0x4d: {  	_ =	shalt  }
0x4e: {  	_ =	shalt  }
0x4f: {  	_ =	shalt  }
0x50: {  	_ =	shalt  }
0x51: {  	_ =	shalt  }
0x52: {  	_ =	shalt  }
0x53: {  	_ =	shalt  }
0x54: {  	_ =	shalt  }
0x55: {  	_ =	shalt  }
0x56: {  	_ =	shalt  }
0x57: {  	_ =	shalt  }
0x58: {  	_ =	shalt  }
0x59: {  	_ =	shalt  }
0x5a: {  	_ =	shalt  }
0x5b: {  	_ =	shalt  }
0x5c: {  	_ =	shalt  }
0x5d: {  	_ =	shalt  }
0x5e: {  	_ =	shalt  }
0x5f: {  	_ =	shalt  }
0x60: {  	_ =	shalt  }
0x61: {  	_ =	shalt  }
0x62: {  	_ =	shalt  }
0x63: {  	_ =	shalt  }
0x64: {  	_ =	shalt  }
0x65: {  	_ =	shalt  }
0x66: {  	_ =	shalt  }
0x67: {  	_ =	shalt  }
0x68: {  	_ =	shalt  }
0x69: {  	_ =	shalt  }
0x6a: {  	_ =	shalt  }
0x6b: {  	_ =	shalt  }
0x6c: {  	_ =	shalt  }
0x6d: {  	_ =	shalt  }
0x6e: {  	_ =	shalt  }
0x6f: {  	_ =	shalt  }
0x70: {  	_ =	shalt  }
0x71: {  	_ =	shalt  }
0x72: {  	_ =	shalt  }
0x73: {  	_ =	shalt  }
0x74: {  	_ =	shalt  }
0x75: {  	_ =	shalt  }
0x76: {  	_ =	shalt  }
0x77: {  	_ =	shalt  }
0x78: {  	_ =	shalt  }
0x79: {  	_ =	shalt  }
0x7a: {  	_ =	shalt  }
0x7b: {  	_ =	shalt  }
0x7c: {  	_ =	shalt  }
0x7d: {  	_ =	shalt  }
0x7e: {  	_ =	shalt  }
0x7f: {  	_ =	shalt  }
0x80: {  	_ =	shalt  }
0x81: {  	_ =	shalt  }
0x82: {  	_ =	shalt  }
0x83: {  	_ =	shalt  }
0x84: {  	_ =	shalt  }
0x85: {  	_ =	shalt  }
0x86: {  	_ =	shalt  }
0x87: {  	_ =	shalt  }
.Lfunc_end0:
.L_simem_size_0:
called_computation.1_lowered:
.L_overlay_start_0:
0x88: {  	s2 =	sld [smem:$0x3FD9]  }
0x89: {  	s3 =	sld [smem:$0x3FFE];
	_ =	sdelay $0x1  }
0x8a: {  	s1 =	srdreg.scid  }
0x8b: {  	s0 =	sand.u32 $0x1, s1  }
0x8c: {  	s16 =	sshll.u32 s0, $0xA;
	s2 =	sadd.s32 s3, s2  }
0x8d: {  	s2 =	sadd.s32 s2, s16  }
0x8e: {  	[smem:$0x3FBF] =	sst s2  }
0x8f: {  	_ = 	snop  }
0x90: {  	(tm) =	ssettm $0x1  }
0x91: {  	s17 =	sld [smem:$0x3FFB];
	_ =	sdelay $0x3  }
0x92: {  	_ =	strace s17  }
0x93: {  	s2 =	sld [smem:$0x3FFC];
	_ =	sdelay $0x3  }
0x94: {  	_ =	strace s2  }
0x95: {  	s2 =	sld [smem:$0x3FFD];
	_ =	sdelay $0x3  }
0x96: {  	_ =	strace s2  }
0x97: {  	_ =	strace $0x8FFFFFFF  }
0x98: {  	s18 =	sld [smem:$0x3FDB];
	_ =	sdelay $0x1  }
0x99: {  	s19 =	simm.s32 $_scs_section_size  }
0x9a: {  	s4 =	simm.s32 $_size__tile_overlayer_lowered;
	s5 =	simm.s32 $_tile_overlayer_lowered  }
0x9b: {  	s22 =	simm.s32 $0x1BFF;
	s21 =	sshll.u32 s5, $0x1;
	s2 =	sadd.s32 s19, s18  }
0x9c: {  	s6 =	simm.s32 $0x0;
	s20 =	sshll.u32 s4, $0x1;
	s4 =	sadd.s32 s21, s2  }
0x9d: {  	[timem:s6], [sflag:s22] =	dma.local [hbm:s4], s20  }
0x9e: {  	_ =	swait.ge [sflag:s22], s20  }
0x9f: {  	s3 =	ssub.s32 $0x0, s20;
	[sflag:s22] =	ssyncset.done $0x0  }
0xa0: {  	[sflag:s22] =	ssyncadd.s32 s3;
	_ =	sdelay $0x1  }
0xa1: {  	s23 =	simm.s32 $0x1B8B  }
0xa2: {  	_ =	swait.ge [sflag:s23], $0x1  }
0xa3: {  	[sflag:s23] =	ssyncset.done $0x0  }
0xa4: {  	s25 =	simm.s32 $0x1B8E;
	s24 =	sld [smem:$0x3FFE];
	[sflag:s23] =	ssyncadd.s32 $0xFFFFFFFF  }
0xa5: {  	s26 =	simm.s32 $execute0_lowered;
	[smem:$0x3FD2] =	sst s25  }
0xa6: {  	s4 =	sshll.u32 s26, $0x1;
	_ =	strace $0x80000049;
	[dreg:$0x1] =	wrdreg $0xFFFFFFFF  }
0xa7: {  	s28 =	simm.s32 $_size_execute0_lowered;
	s2 =	sadd.s32 s2, s4;
	[dreg:$0x0] =	wrdreg $0x0  }
0xa8: {  	s4 =	sshll.u32 s28, $0x1;
	[dreg:$0x2] =	wrdreg s2  }
0xa9: {  	[dreg:$0x3] =	wrdreg s4  }
0xaa: {  	[dreg:$0x4] =	wrdreg $0xC0  }
0xab: {  	_ =	task [dreg:s6], $0x5FFFF  }
0xac: {  	[dreg:$0x1] =	wrdreg $0xFFFFFFFF  }
0xad: {  	[dreg:$0x0] =	wrdreg $0x60  }
0xae: {  	[dreg:$0x2] =	wrdreg s24  }
0xaf: {  	[dreg:$0x3] =	wrdreg $0x0  }
0xb0: {  	[dreg:$0x4] =	wrdreg $0xAE000  }
0xb1: {  	[dreg:$0x5] =	wrdreg $0x9  }
0xb2: {  	_ =	task.clear_ibuf [dreg:s6], $0x6FFFF;
	_ =	strace $0x90000049  }
0xb3: {  	s29 =	simm.s32 $0x9;
	_ =	strace $0x8000004B  }
0xb4: {  	_ =	swait.ge [sflag:s29], $0x1  }
0xb5: {  	[sflag:s29] =	ssyncadd.s32 $0xFFFFFFFF  }
0xb6: {  	_ =	strace $0x9000004B  }
0xb7: {  	_ =	sfence  }
0xb8: {  	s30 =	sld [smem:$0x0];
	_ =	sdelay $0x2  }
0xb9: {  	s31 =	sshll.u32 s1, $0xD;
	s1 =	sshrl.u32 s1, $0x2  }
0xba: {  	s3 =	sand.u32 $0x4000, s31;
	s1 =	sadd.s32 s1, s30  }
0xbb: {  	s0 =	sor.u32 s3, s0;
	s1 =	sshll.u32 s1, $0x11  }
0xbc: {  	s0 =	sor.u32 s1, s0  }
0xbd: {  	s0 =	sadd.s32 $0x8F2B, s0  }
0xbe: {  	[sflag:s0] =	ssyncadd.remote.s32 $0x1  }
0xbf: {  	_ =	sfence.sel $0xFFFF  }
0xc0: {  	[dreg:$0x0] =	wrdreg $0xFFFFFFFF;
	(pc) =	sbr.abs _section_cstart, $3  }
0xc1: {  	[dreg:$0x1] =	wrdreg $0xFFFFFFFF  }
0xc2: {  	_ =	task.clear_ibuf [dreg:s6], $0x2FFFF;
	_ =	strace $0x9FFFFFFF  }
0xc3: {  	(tm) =	ssettm $0x7FFFFFFF  }
tec
execute0_lowered:
.L_overlay_start_1:
0x0: {  	(tag) =	ssettag $0x1  }
0x1: {  	s5 =	rddreg [dreg:$0x0]  }
0x2: {  	s1 =	rddreg [dreg:$0x1];
	s0 =	srdreg.scid  }
0x3: {  	s2 =	rddreg [dreg:$0x2];
	s17 =	stileid.u32  }
0x4: {  	s3 =	simm.s32 $0x0;
	s10 =	simm.s32 $0x3;
	s11 =	simm.s32 $0x2780  }
0x5: {  	s13 =	simm.s32 $0x80;
	s14 =	simm.s32 $0x7680;
	s15 =	simm.s32 $0x1  }
0x6: {  	s16 =	simm.s32 $0x2;
	s4 =	sand.u32 $0x1, s0;
	s0 =	rddreg [dreg:$0x3]  }
0x7: {  	s19 =	simm.s32 $0x0;
	s7 =	smul.u32 $0x2780, s17;
	[smem:$0x7FF] =	sst s3  }
0x8: {  	p0 =	sne.s32 s17, $0x0;
	s6 =	sshll.u32 s4, $0x4;
	s8 =	smul.u32 $0x27800, s4  }
0x9: {  	_ =	strace $0x8000004A;
	s9 =	ssub.s32 $0x2, s4;
	s6 =	sor.u32 s17, s6  }
0xa: {  	s4 =	sadd.s32 $0x16000, s5;
	s12 =	sshrl.u32 @!p0 s2, $0x3;
	s6 =	smul.u32 $0x9E0, s6  }
.Ltmp0:
0xb: {  	s31 =	sshrl.u32 s9, $0x1;
	s8 =	sadd.s32 s7, s8;
	(pc) =	sbr.rel .LBB2_1-.Ltmp0, $4  }
0xc: {  	s17 =	sshll.u32 s17, $0x6;
	s9 =	ssub.s32 s9, s31;
	s8 =	sshrl.u32 s8, $0x3  }
0xd: {  	s17 =	sor.u32 $0x1C03, s17;
	s6 =	sadd.s32 s6, s5;
	s8 =	sadd.s32 s8, s5  }
0xe: {  	s5 =	sadd.s32 s7, s1;
	s6 =	sadd.s32 $0x2400, s6;
	s7 =	sadd.s32 $0x1B000, s8  }
0xf: {  	v0 =	vimm.f32 $0.0e+00;
	s8 =	smax.u32 s9, $0x1;
	s9 =	simm.s32 $0x8680;
	s18 =	sshrl.u32 s5, $0x3  }
.LBB2_8:
0x10: {  	_ =	swait.ge [sflag:s16], $0x800  }
0x11: {  	[sflag:s16] =	ssyncset.done $0x0  }
0x12: {  	[sflag:s16] =	ssyncadd.s32 $0xFFFFF800  }
0x13: {  	_ =	swait.ge [sflag:s16], $0x800  }
0x14: {  	s19 =	sadd.s32 $0x1, s19;
	[sflag:s16] =	ssyncset.done $0x0  }
0x15: {  	p1 =	sne.s32 s19, s8;
	[sflag:s16] =	ssyncadd.s32 $0xFFFFF800  }
.Ltmp1:
0x16: {  	[bflag:$0x0] =	sbarrier.arrive $0xFFFF;
	(pc) =	sbr.rel @!p1 .LBB2_9-.Ltmp1, $4  }
0x17: {  	[hbm:s7], [sflag:s17] =	dma.local [spmem:s18], $0x4F0  }
0x18: {  	_ =	swait.ge [sflag:s10], $0x4F0  }
0x19: {  	[sflag:s10] =	ssyncset.done $0x0  }
0x1a: {  	[sflag:s10] =	ssyncadd.s32 $0xFFFFFB10  }
.LBB2_1:
0x1b: {  	s20 =	simm.s32 $0x40;
	s21 =	simm.s32 $0x0  }
.LBB2_2:
0x1c: {  	p1 =	sne.s32 s20, $0x9DC0;
	[tilespmem:s21+$0x8680] =	vst v0;
	s21 =	smov.u32 s20;
	s20 =	sadd.s32 $0x40, s20  }
.Ltmp2:
0x1d: {  	(pc) =	sbr.rel @p1 .LBB2_2-.Ltmp2, $2  }
0x1e: {  	_ =	sdelay $0x2  }
0x1f: {  	s21 =	sshra.s32 s21, $0x2  }
0x20: {  	[tilespmem:s21+$0x8680] =	vst v0  }
0x21: {  	[spmem:s5] =	stream.linear.scatter [tilespmem:s9], [sflag:$0x3], $0x2780, $0x38;
	[tilespmem:$0xD580] =	vst v63  }
0x22: {  	_ =	swait.ge [sflag:s10], $0x2780  }
0x23: {  	[sflag:s10] =	ssyncset.done $0x0  }
0x24: {  	[sflag:s10] =	ssyncadd.s32 $0xFFFFD880  }
0x25: {  	[tilespmem:s11], [sflag:$0x3] =	stream.linear.gather [hbm4b:s6+s3], $0x4F00, $0x38;
	[tilespmem:$0xD580] =	vst v63  }
0x26: {  	_ =	swait.ge [sflag:s10], $0x4F00  }
0x27: {  	[sflag:s10] =	ssyncset.done $0x0  }
0x28: {  	s20 =	simm.s32 @!p0 $0x1C03;
	[sflag:s10] =	ssyncadd.s32 $0xFFFFB100  }
0x29: {  	[spmem:s12], [sflag:s20] =	dma.local @!p0 [hbm:s4], $0x4F00  }
0x2a: {  	s20 =	simm.s32 @!p0 $0x3  }
.Ltmp3:
0x2b: {  	_ =	swait.ge @!p0 [sflag:s20], $0x4F00;
	(pc) =	sbr.rel .LBB2_4-.Ltmp3, $4  }
0x2c: {  	[sflag:s20] =	ssyncset.done @!p0 $0x0  }
0x2d: {  	s21 =	simm.s32 $0x2880;
	[sflag:s20] =	ssyncadd.s32 @!p0 $0xFFFFB100  }
0x2e: {  	s22 =	simm.s32 $0x0;
	s20 =	simm.s32 $0x0;
	[bflag:$0x0] =	sbarrier.arrive $0xFFFF  }
0x2f: {  	[tilespmem:s14], [sflag:$0x1] =	stream.indirect.gather [spmem:s2], $0x10, s11, s13, $0xb8;
	[tilespmem:$0xD580] =	vst v63  }
.LBB2_7:
0x30: {  	s22 =	sadd.s32 $0x1, s22  }
0x31: {  	s20 =	sadd.s32 $0x2000, s20;
	p1 =	sne.s32 s22, $0x4F  }
.Ltmp4:
0x32: {  	s23 =	sand.u32 $0x2000, s20;
	(pc) =	sbr.rel @!p1 .LBB2_8-.Ltmp4, $4  }
0x33: {  	s23 =	sshrl.u32 s23, $0x2  }
0x34: {  	s23 =	sor.u32 $0x7680, s23  }
0x35: {  	[tilespmem:s23], [sflag:$0x1] =	stream.indirect.gather [spmem:s2], $0x10, s21, s13, $0xb8;
	[tilespmem:$0xD580] =	vst v63  }
0x36: {  	s21 =	sadd.s32 $0x100, s21  }
.LBB2_4:
0x37: {  	p1 =	seq.s32 s22, $0x0  }
.Ltmp5:
0x38: {  	_ = 	snop;
	(pc) =	sbr.rel @p1 .LBB2_7-.Ltmp5, $4  }
0x39: {  	_ =	swait.ge [sflag:s15], $0x800;
	s23 =	sand.u32 $0x2000, s20  }
0x3a: {  	[sflag:s15] =	ssyncset.done $0x0;
	s23 =	sshrl.u32 s23, $0x2  }
0x3b: {  	s24 =	sadd.s32 $0xFFFFFF80, s21;
	[sflag:s15] =	ssyncadd.s32 $0xFFFFF800;
	s23 =	sor.u32 $0x7680, s23  }
0x3c: {  	[spmem:s1] =	stream.indirect.scatter.add.f32 [tilespmem:s23], [sflag:$0x2], $0x10, s24, s13, $0xb8;
	[tilespmem:$0xD580] =	vst v63  }
0x3d: {  	p1 =	seq.s32 s22, $0x4E  }
.Ltmp6:
0x3e: {  	_ = 	snop;
	(pc) =	sbr.rel @p1 .LBB2_8-.Ltmp6, $1  }
0x3f: {  	_ =	sdelay $0x3  }
.Ltmp7:
0x40: {  	(pc) =	sbr.rel .LBB2_7-.Ltmp7, $4  }
0x41: {  	_ = 	snop  }
0x42: {  	_ =	swait.ge [sflag:s16], $0x800  }
0x43: {  	[sflag:s16] =	ssyncset.done $0x0  }
0x44: {  	[sflag:s16] =	ssyncadd.s32 $0xFFFFF800  }
.LBB2_9:
0x45: {  	_ =	sfence.sel $0x180000  }
0x46: {  	[bflag:$0x0] =	sbarrier.arrive $0xFFFF  }
0x47: {  	_ =	strace $0x9000004A  }
0x48: {  	s0 =	sadd.s32 @!p0 $0x100000, s0;
	[bflag:$0x2] =	sbarrier.arrive $0xFFFF  }
0x49: {  	[sflag:s0] =	ssyncadd.tile.s32 @!p0 $0x1;
	_ =	shalt  }
.Lfunc_end2:
_tile_overlayer_lowered:
.L_overlay_start_2:
0x4a: {  	(tag) =	ssettag $0x2  }
0x4b: {  	s0 =	rddreg [dreg:$0x0];
	s2 =	stileid.u32  }
0x4c: {  	s1 =	rddreg [dreg:$0x1];
	p0 =	sne.s32 s2, $0x0  }
0x4d: {  	s3 =	rddreg [dreg:$0x2];
	[bflag:$0x3] =	sbarrier.arrive $0xFFFF;
	s2 =	simm.s32 @!p0 $0x1C03  }
0x4e: {  	[timem:s3], [sflag:s2] =	dma.local @!p0 [hbm:s0], s1  }
0x4f: {  	s0 =	simm.s32 @!p0 $0x3  }
0x50: {  	_ =	swait.ge @!p0 [sflag:s0], s1  }
0x51: {  	s1 =	ssub.s32 @!p0 $0x0, s1;
	[sflag:s0] =	ssyncset.done @!p0 $0x0  }
0x52: {  	[sflag:s0] =	ssyncadd.s32 @!p0 s1  }
0x53: {  	[bflag:$0x3] =	sbarrier.arrive $0xFFFF  }
0x54: {  	_ =	shalt  }

// kernel: kernel.7.cloned.1.call-start
scs
__scs_entry_jumppad:
0x0: {  	(pc) =	sbr.rel $0x88, $3  }
0x1: {  	(tag) =	ssettag $0x0;
	lr =	simm.s32 $0x1  }
0x2: {  	[smem:$0x3F98] =	sst lr;
	_ =	strace $0xD0000000  }
0x3: {  	_ = 	snop  }
0x4: {  	_ = 	snop  }
0x5: {  	_ = 	snop  }
0x6: {  	_ = 	snop  }
0x7: {  	_ = 	snop  }
__scs_overlays_trampoline_lowered:
0x8: {  	[smem:$0x3FA7] =	sst s0  }
0x9: {  	[smem:$0x3FA8] =	sst s1  }
0xa: {  	[smem:$0x3FA9] =	sst s2  }
0xb: {  	[smem:$0x3FAA] =	sst s3  }
0xc: {  	[smem:$0x3FAB] =	sst s4  }
0xd: {  	[smem:$0x3FAC] =	sst s5  }
0xe: {  	[smem:$0x3FAD] =	sst s6  }
0xf: {  	[smem:$0x3FAE] =	sst s7  }
0x10: {  	[smem:$0x3FAF] =	sst s8  }
0x11: {  	[smem:$0x3FB0] =	sst s9;
	s0 =	simm.s32 @!p0 $0x0  }
0x12: {  	s1 =	sld [smem:$0x3F96];
	s0 =	simm.s32 @p0 $0x1  }
0x13: {  	[smem:$0x3FB1] =	sst s0;
	s0 =	simm.s32 @!p1 $0x0  }
0x14: {  	s2 =	sld [smem:$0x3F95];
	s0 =	simm.s32 @p1 $0x1  }
0x15: {  	[smem:$0x3FB2] =	sst s0;
	s0 =	simm.s32 @!p2 $0x0  }
0x16: {  	s3 =	sld [smem:$0x3FDB];
	s0 =	simm.s32 @p2 $0x1  }
0x17: {  	s4 =	simm.s32 $0x1BF5;
	[smem:$0x3FB4] =	sst s0  }
0x18: {  	s0 =	sld [smem:$0x3F97];
	_ =	swait.ge [sflag:s4], $0x0  }
0x19: {  	s7 =	sld [smem:$0x3F98]  }
0x1a: {  	s8 =	sadd.s32 $0xFFFFE003, lr  }
0x1b: {  	s9 =	sadd.s32 $0xFFFFFEF7, lr;
	s5 =	simm.s32 $0xFFFFFFFF;
	p2 =	slt.u32 s8, $0xFFFFF086  }
0x1c: {  	p1 =	slt.u32 s9, $0xF7A;
	s5 =	simm.s32 @!p2 $0x0  }
0x1d: {  	s5 =	simm.s32 @p1 $0x1;
	p0 =	seq.s32 s7, s2  }
0x1e: {  	s7 =	smul.u32 @!p0 $0xF7A, s2;
	p2 =	seq.s32 @!p0 s5, $0x0  }
0x1f: {  	s9 =	smul.u32 $0xF7A, s1;
	s8 =	simm.s32 @!p0 $0x1BF5;
	p2 =	por !p2, p0  }
0x20: {  	[sflag:s8] =	ssyncset.s32 @!p0 $0xFFFFF086;
	s6 =	sadd.s32 @!p0 s3, s7;
	s7 =	simm.s32 @!p0 $0x108  }
0x21: {  	s3 =	sadd.s32 s3, s9;
	s6 =	sadd.s32 @!p0 $0x88, s6;
	s7 =	simm.s32 @p2 $0x1082  }
0x22: {  	[simem:s7], [sflag:s8] =	dma.local @!p0 [hbm:s6], $0xF7A  }
0x23: {  	s9 =	sor.u32 $0xD0000000, s2;
	s6 =	simm.s32 $0x108;
	_ =	swait.ge @!p0 [sflag:s8], $0x0  }
0x24: {  	s3 =	sadd.s32 $0x88, s3;
	s6 =	simm.s32 @!p1 $0x1082;
	[sflag:s4] =	ssyncset.s32 $0xFFFFF086  }
0x25: {  	[simem:s6], [sflag:s4] =	dma.local [hbm:s3], $0xF7A  }
0x26: {  	[smem:$0x3F98] =	sst s1;
	(tag) =	ssettag s2;
	_ =	strace s9  }
0x27: {  	s1 =	sld [smem:$0x3FA8]  }
0x28: {  	s2 =	sld [smem:$0x3FA9]  }
0x29: {  	s4 =	sld [smem:$0x3FAB]  }
0x2a: {  	p0 =	seq.s32 s5, $0x0;
	s5 =	sld [smem:$0x3FAC]  }
0x2b: {  	s6 =	sld [smem:$0x3FAD]  }
0x2c: {  	s7 =	sld [smem:$0x3FAE]  }
0x2d: {  	s3 =	simm.s32 $0x108;
	s8 =	sld [smem:$0x3FAF]  }
0x2e: {  	s3 =	simm.s32 @!p0 $0x1082;
	s9 =	sld [smem:$0x3FB0]  }
0x2f: {  	lr =	sadd.s32 s0, s3;
	s0 =	sld [smem:$0x3FA7]  }
0x30: {  	s3 =	sld [smem:$0x3FAA]  }
0x31: {  	[smem:$0x3FB3] =	sst s10  }
0x32: {  	s10 =	sld [smem:$0x3FB1];
	_ =	sdelay $0x3  }
0x33: {  	p0 =	seq.s32 s10, $0x1;
	s10 =	sld [smem:$0x3FB3];
	_ =	sdelay $0x3  }
0x34: {  	[smem:$0x3FB3] =	sst s10  }
0x35: {  	s10 =	sld [smem:$0x3FB2];
	_ =	sdelay $0x3  }
0x36: {  	p1 =	seq.s32 s10, $0x1;
	s10 =	sld [smem:$0x3FB3];
	_ =	sdelay $0x3  }
0x37: {  	[smem:$0x3FB3] =	sst s10  }
0x38: {  	s10 =	sld [smem:$0x3FB4]  }
0x39: {  	_ = 	snop;
	(pc) =	sbr.ind lr, $3  }
0x3a: {  	_ = 	snop  }
0x3b: {  	_ = 	snop  }
0x3c: {  	p2 =	seq.s32 s10, $0x1;
	s10 =	sld [smem:$0x3FB3]  }
0x3d: {  	_ =	shalt  }
0x3e: {  	_ =	shalt  }
0x3f: {  	_ =	shalt  }
0x40: {  	_ =	shalt  }
0x41: {  	_ =	shalt  }
0x42: {  	_ =	shalt  }
0x43: {  	_ =	shalt  }
0x44: {  	_ =	shalt  }
0x45: {  	_ =	shalt  }
0x46: {  	_ =	shalt  }
0x47: {  	_ =	shalt  }
0x48: {  	_ =	shalt  }
0x49: {  	_ =	shalt  }
0x4a: {  	_ =	shalt  }
0x4b: {  	_ =	shalt  }
0x4c: {  	_ =	shalt  }
0x4d: {  	_ =	shalt  }
0x4e: {  	_ =	shalt  }
0x4f: {  	_ =	shalt  }
0x50: {  	_ =	shalt  }
0x51: {  	_ =	shalt  }
0x52: {  	_ =	shalt  }
0x53: {  	_ =	shalt  }
0x54: {  	_ =	shalt  }
0x55: {  	_ =	shalt  }
0x56: {  	_ =	shalt  }
0x57: {  	_ =	shalt  }
0x58: {  	_ =	shalt  }
0x59: {  	_ =	shalt  }
0x5a: {  	_ =	shalt  }
0x5b: {  	_ =	shalt  }
0x5c: {  	_ =	shalt  }
0x5d: {  	_ =	shalt  }
0x5e: {  	_ =	shalt  }
0x5f: {  	_ =	shalt  }
0x60: {  	_ =	shalt  }
0x61: {  	_ =	shalt  }
0x62: {  	_ =	shalt  }
0x63: {  	_ =	shalt  }
0x64: {  	_ =	shalt  }
0x65: {  	_ =	shalt  }
0x66: {  	_ =	shalt  }
0x67: {  	_ =	shalt  }
0x68: {  	_ =	shalt  }
0x69: {  	_ =	shalt  }
0x6a: {  	_ =	shalt  }
0x6b: {  	_ =	shalt  }
0x6c: {  	_ =	shalt  }
0x6d: {  	_ =	shalt  }
0x6e: {  	_ =	shalt  }
0x6f: {  	_ =	shalt  }
0x70: {  	_ =	shalt  }
0x71: {  	_ =	shalt  }
0x72: {  	_ =	shalt  }
0x73: {  	_ =	shalt  }
0x74: {  	_ =	shalt  }
0x75: {  	_ =	shalt  }
0x76: {  	_ =	shalt  }
0x77: {  	_ =	shalt  }
0x78: {  	_ =	shalt  }
0x79: {  	_ =	shalt  }
0x7a: {  	_ =	shalt  }
0x7b: {  	_ =	shalt  }
0x7c: {  	_ =	shalt  }
0x7d: {  	_ =	shalt  }
0x7e: {  	_ =	shalt  }
0x7f: {  	_ =	shalt  }
0x80: {  	_ =	shalt  }
0x81: {  	_ =	shalt  }
0x82: {  	_ =	shalt  }
0x83: {  	_ =	shalt  }
0x84: {  	_ =	shalt  }
0x85: {  	_ =	shalt  }
0x86: {  	_ =	shalt  }
0x87: {  	_ =	shalt  }
.Lfunc_end0:
.L_simem_size_0:
called_computation_lowered:
.L_overlay_start_0:
0x88: {  	s2 =	sld [smem:$0x3FD9]  }
0x89: {  	s3 =	sld [smem:$0x3FFE];
	_ =	sdelay $0x1  }
0x8a: {  	s1 =	srdreg.scid  }
0x8b: {  	s0 =	sand.u32 $0x1, s1  }
0x8c: {  	s16 =	sshll.u32 s0, $0xA;
	s2 =	sadd.s32 s3, s2  }
0x8d: {  	s2 =	sadd.s32 s2, s16  }
0x8e: {  	[smem:$0x3FBF] =	sst s2  }
0x8f: {  	_ = 	snop  }
0x90: {  	(tm) =	ssettm $0x1  }
0x91: {  	s17 =	sld [smem:$0x3FFB];
	_ =	sdelay $0x3  }
0x92: {  	_ =	strace s17  }
0x93: {  	s2 =	sld [smem:$0x3FFC];
	_ =	sdelay $0x3  }
0x94: {  	_ =	strace s2  }
0x95: {  	s2 =	sld [smem:$0x3FFD];
	_ =	sdelay $0x3  }
0x96: {  	_ =	strace s2  }
0x97: {  	_ =	strace $0x8FFFFFFF  }
0x98: {  	s18 =	sld [smem:$0x3FDB];
	_ =	sdelay $0x1  }
0x99: {  	s19 =	simm.s32 $_scs_section_size  }
0x9a: {  	s4 =	simm.s32 $_size__tile_overlayer_lowered;
	s5 =	simm.s32 $_tile_overlayer_lowered  }
0x9b: {  	s22 =	simm.s32 $0x1BFF;
	s21 =	sshll.u32 s5, $0x1;
	s2 =	sadd.s32 s19, s18  }
0x9c: {  	s6 =	simm.s32 $0x0;
	s20 =	sshll.u32 s4, $0x1;
	s4 =	sadd.s32 s21, s2  }
0x9d: {  	[timem:s6], [sflag:s22] =	dma.local [hbm:s4], s20  }
0x9e: {  	_ =	swait.ge [sflag:s22], s20  }
0x9f: {  	s3 =	ssub.s32 $0x0, s20;
	[sflag:s22] =	ssyncset.done $0x0  }
0xa0: {  	[sflag:s22] =	ssyncadd.s32 s3;
	_ =	sdelay $0x1  }
0xa1: {  	s23 =	simm.s32 $0x1B8B  }
0xa2: {  	_ =	swait.ge [sflag:s23], $0x1  }
0xa3: {  	[sflag:s23] =	ssyncset.done $0x0  }
0xa4: {  	s25 =	simm.s32 $0x1B8E;
	s24 =	sld [smem:$0x3FFE];
	[sflag:s23] =	ssyncadd.s32 $0xFFFFFFFF  }
0xa5: {  	s26 =	simm.s32 $execute0_lowered;
	[smem:$0x3FD2] =	sst s25  }
0xa6: {  	s4 =	sshll.u32 s26, $0x1;
	_ =	strace $0x80000046;
	[dreg:$0x1] =	wrdreg $0xFFFFFFFF  }
0xa7: {  	s28 =	simm.s32 $_size_execute0_lowered;
	s2 =	sadd.s32 s2, s4;
	[dreg:$0x0] =	wrdreg $0x0  }
0xa8: {  	s4 =	sshll.u32 s28, $0x1;
	[dreg:$0x2] =	wrdreg s2  }
0xa9: {  	[dreg:$0x3] =	wrdreg s4  }
0xaa: {  	[dreg:$0x4] =	wrdreg $0xC0  }
0xab: {  	_ =	task [dreg:s6], $0x5FFFF  }
0xac: {  	[dreg:$0x1] =	wrdreg $0xFFFFFFFF  }
0xad: {  	[dreg:$0x0] =	wrdreg $0x60  }
0xae: {  	[dreg:$0x2] =	wrdreg s24  }
0xaf: {  	[dreg:$0x3] =	wrdreg $0x0  }
0xb0: {  	[dreg:$0x4] =	wrdreg $0x27800  }
0xb1: {  	[dreg:$0x5] =	wrdreg $0xDD800  }
0xb2: {  	[dreg:$0x6] =	wrdreg $0x9  }
0xb3: {  	_ =	task.clear_ibuf [dreg:s6], $0x7FFFF;
	_ =	strace $0x90000046  }
0xb4: {  	s29 =	simm.s32 $0x9;
	_ =	strace $0x80000048  }
0xb5: {  	_ =	swait.ge [sflag:s29], $0x1  }
0xb6: {  	[sflag:s29] =	ssyncadd.s32 $0xFFFFFFFF  }
0xb7: {  	_ =	strace $0x90000048  }
0xb8: {  	_ =	sfence  }
0xb9: {  	s30 =	sld [smem:$0x0];
	_ =	sdelay $0x2  }
0xba: {  	s31 =	sshll.u32 s1, $0xD;
	s1 =	sshrl.u32 s1, $0x2  }
0xbb: {  	s3 =	sand.u32 $0x4000, s31;
	s1 =	sadd.s32 s1, s30  }
0xbc: {  	s0 =	sor.u32 s3, s0;
	s1 =	sshll.u32 s1, $0x11  }
0xbd: {  	s0 =	sor.u32 s1, s0  }
0xbe: {  	s0 =	sadd.s32 $0x8F2B, s0  }
0xbf: {  	[sflag:s0] =	ssyncadd.remote.s32 $0x1  }
0xc0: {  	_ =	sfence.sel $0xFFFF  }
0xc1: {  	[dreg:$0x0] =	wrdreg $0xFFFFFFFF;
	(pc) =	sbr.abs _section_cstart, $3  }
0xc2: {  	[dreg:$0x1] =	wrdreg $0xFFFFFFFF  }
0xc3: {  	_ =	task.clear_ibuf [dreg:s6], $0x2FFFF;
	_ =	strace $0x9FFFFFFF  }
0xc4: {  	(tm) =	ssettm $0x7FFFFFFF  }
0xc5: {  	_ =	shalt  }
tec
execute0_lowered:
.L_overlay_start_1:
0x0: {  	(tag) =	ssettag $0x1  }
0x1: {  	s8 =	rddreg [dreg:$0x0]  }
0x2: {  	s1 =	rddreg [dreg:$0x1]  }
0x3: {  	s0 =	srdreg.scid;
	s3 =	rddreg [dreg:$0x2]  }
0x4: {  	s4 =	rddreg [dreg:$0x3];
	s5 =	simm.s32 $0x0;
	s15 =	simm.s32 $0x3  }
0x5: {  	s16 =	simm.s32 $0x9E00;
	s17 =	simm.s32 $0x4F00;
	s19 =	simm.s32 $0x80  }
0x6: {  	s20 =	simm.s32 $0xA600;
	s21 =	simm.s32 $0x1;
	s22 =	simm.s32 $0x2  }
0x7: {  	s23 =	simm.s32 $0x0;
	s7 =	sand.u32 $0x1, s0;
	s0 =	stileid.u32  }
0x8: {  	[smem:$0x7FF] =	sst s5;
	s2 =	sshll.u32 s7, $0x4;
	s9 =	smul.u32 $0x2780, s0  }
0x9: {  	s10 =	smul.u32 $0x27800, s7;
	s12 =	ssub.s32 $0x2, s7;
	s7 =	sadd.s32 $0x1B000, s8  }
0xa: {  	p0 =	sne.s32 s0, $0x0;
	s2 =	sor.u32 s0, s2;
	s31 =	sshrl.u32 s12, $0x1  }
0xb: {  	s18 =	sshrl.u32 @!p0 s4, $0x3;
	s6 =	smul.u32 $0x9E0, s2;
	s2 =	rddreg [dreg:$0x4]  }
.Ltmp0:
0xc: {  	_ =	strace $0x80000047;
	s10 =	sadd.s32 s9, s10;
	(pc) =	sbr.rel .LBB2_1-.Ltmp0, $4  }
0xd: {  	s14 =	ssub.s32 s12, s31;
	s10 =	sshrl.u32 s10, $0x3;
	s11 =	sadd.s32 s6, s8  }
0xe: {  	s6 =	sadd.s32 $0x16000, s8;
	s13 =	sadd.s32 s10, s8;
	s8 =	sadd.s32 s9, s1  }
0xf: {  	s9 =	sadd.s32 s9, s3;
	s10 =	sadd.s32 $0x2400, s11;
	s11 =	sadd.s32 $0x1B200, s13  }
0x10: {  	v0 =	vimm.f32 $0.0e+00;
	s12 =	sadd.s32 $0x25000, s13;
	s13 =	smax.u32 s14, $0x1;
	s14 =	simm.s32 $0xB600  }
.LBB2_8:
0x11: {  	_ =	swait.ge [sflag:s22], $0x800  }
0x12: {  	[sflag:s22] =	ssyncset.done $0x0  }
0x13: {  	[sflag:s22] =	ssyncadd.s32 $0xFFFFF800  }
0x14: {  	_ =	swait.ge [sflag:s22], $0x800  }
0x15: {  	[sflag:s22] =	ssyncset.done $0x0  }
0x16: {  	[sflag:s22] =	ssyncadd.s32 $0xFFFFF800  }
0x17: {  	_ =	swait.ge [sflag:s22], $0x800  }
0x18: {  	[sflag:s22] =	ssyncset.done $0x0  }
0x19: {  	[sflag:s22] =	ssyncadd.s32 $0xFFFFF800  }
0x1a: {  	_ =	swait.ge [sflag:s22], $0x800  }
0x1b: {  	[sflag:s22] =	ssyncset.done $0x0  }
0x1c: {  	s24 =	sshll.u32 s0, $0x6;
	[sflag:s22] =	ssyncadd.s32 $0xFFFFF800  }
0x1d: {  	s25 =	sshrl.u32 s8, $0x3;
	s24 =	sor.u32 $0x1C03, s24;
	[bflag:$0x0] =	sbarrier.arrive $0xFFFF  }
0x1e: {  	[hbm:s11], [sflag:s24] =	dma.local [spmem:s25], $0x4F0  }
0x1f: {  	s23 =	sadd.s32 $0x1, s23;
	_ =	swait.ge [sflag:s15], $0x4F0  }
0x20: {  	p1 =	sne.s32 s23, s13;
	[sflag:s15] =	ssyncset.done $0x0  }
.Ltmp1:
0x21: {  	s31 =	sshrl.u32 s9, $0x3;
	[sflag:s15] =	ssyncadd.s32 $0xFFFFFB10;
	(pc) =	sbr.rel @!p1 .LBB2_9-.Ltmp1, $4  }
0x22: {  	[hbm:s12], [sflag:s24] =	dma.local [spmem:s31], $0x4F0  }
0x23: {  	_ =	swait.ge [sflag:s15], $0x4F0  }
0x24: {  	[sflag:s15] =	ssyncset.done $0x0  }
0x25: {  	[sflag:s15] =	ssyncadd.s32 $0xFFFFFB10  }
.LBB2_1:
0x26: {  	s24 =	simm.s32 $0x40;
	s25 =	simm.s32 $0x0  }
.LBB2_2:
0x27: {  	p1 =	sne.s32 s24, $0x9DC0;
	[tilespmem:s25+$0xB600] =	vst v0;
	s25 =	smov.u32 s24;
	s24 =	sadd.s32 $0x40, s24  }
.Ltmp2:
0x28: {  	(pc) =	sbr.rel @p1 .LBB2_2-.Ltmp2, $2  }
0x29: {  	_ =	sdelay $0x2  }
0x2a: {  	s25 =	sshra.s32 s25, $0x2  }
0x2b: {  	[tilespmem:s25+$0xB600] =	vst v0  }
0x2c: {  	[spmem:s8] =	stream.linear.scatter [tilespmem:s14], [sflag:$0x3], $0x2780, $0x38;
	[tilespmem:$0x10500] =	vst v63  }
0x2d: {  	_ =	swait.ge [sflag:s15], $0x2780  }
0x2e: {  	[sflag:s15] =	ssyncset.done $0x0  }
0x2f: {  	[sflag:s15] =	ssyncadd.s32 $0xFFFFD880  }
0x30: {  	[spmem:s9] =	stream.linear.scatter [tilespmem:s14], [sflag:$0x3], $0x2780, $0x38;
	[tilespmem:$0x10500] =	vst v63  }
0x31: {  	_ =	swait.ge [sflag:s15], $0x2780  }
0x32: {  	[sflag:s15] =	ssyncset.done $0x0  }
0x33: {  	[sflag:s15] =	ssyncadd.s32 $0xFFFFD880  }
0x34: {  	[tilespmem:s16], [sflag:$0x3] =	stream.linear.gather [hbm4b:s7+s5], $0x800, $0x38;
	[tilespmem:$0x10500] =	vst v63  }
0x35: {  	_ =	swait.ge [sflag:s15], $0x800  }
0x36: {  	[sflag:s15] =	ssyncset.done $0x0  }
0x37: {  	[sflag:s15] =	ssyncadd.s32 $0xFFFFF800  }
0x38: {  	[tilespmem:s17], [sflag:$0x3] =	stream.linear.gather [hbm4b:s10+s5], $0x4F00, $0x38;
	[tilespmem:$0x10500] =	vst v63  }
0x39: {  	_ =	swait.ge [sflag:s15], $0x4F00  }
0x3a: {  	[sflag:s15] =	ssyncset.done $0x0  }
0x3b: {  	s24 =	simm.s32 @!p0 $0x1C03;
	[sflag:s15] =	ssyncadd.s32 $0xFFFFB100  }
0x3c: {  	[spmem:s18], [sflag:s24] =	dma.local @!p0 [hbm:s6], $0x4E20  }
0x3d: {  	s24 =	simm.s32 @!p0 $0x3  }
.Ltmp3:
0x3e: {  	_ =	swait.ge @!p0 [sflag:s24], $0x4E20;
	(pc) =	sbr.rel .LBB2_4-.Ltmp3, $4  }
0x3f: {  	[sflag:s24] =	ssyncset.done @!p0 $0x0  }
0x40: {  	s25 =	simm.s32 $0x5000;
	[sflag:s24] =	ssyncadd.s32 @!p0 $0xFFFFB1E0  }
0x41: {  	s26 =	simm.s32 $0x0;
	s24 =	simm.s32 $0x0;
	[bflag:$0x0] =	sbarrier.arrive $0xFFFF  }
0x42: {  	[tilespmem:s20], [sflag:$0x1] =	stream.indirect.gather [spmem:s4], $0x10, s17, s19, $0xb8;
	[tilespmem:$0x10500] =	vst v63  }
.LBB2_7:
0x43: {  	s26 =	sadd.s32 $0x1, s26  }
0x44: {  	s24 =	sadd.s32 $0x2000, s24;
	p1 =	sne.s32 s26, $0x4F  }
.Ltmp4:
0x45: {  	s28 =	sand.u32 $0x2000, s24;
	(pc) =	sbr.rel @!p1 .LBB2_8-.Ltmp4, $4  }
0x46: {  	s28 =	sshrl.u32 s28, $0x2  }
0x47: {  	s28 =	sor.u32 $0xA600, s28  }
0x48: {  	[tilespmem:s28], [sflag:$0x1] =	stream.indirect.gather [spmem:s4], $0x10, s25, s19, $0xb8;
	[tilespmem:$0x10500] =	vst v63  }
0x49: {  	s25 =	sadd.s32 $0x100, s25  }
.LBB2_4:
0x4a: {  	_ =	swait.ge [sflag:s21], $0x800;
	s28 =	sand.u32 $0x2000, s24;
	p1 =	seq.s32 s26, $0x0  }
.Ltmp5:
0x4b: {  	[sflag:s21] =	ssyncset.done $0x0;
	s28 =	sshrl.u32 s28, $0x2;
	(pc) =	sbr.rel @p1 .LBB2_7-.Ltmp5, $4  }
0x4c: {  	s29 =	sadd.s32 $0xFFFFFF80, s25;
	[sflag:s21] =	ssyncadd.s32 $0xFFFFF800;
	s28 =	sor.u32 $0xA600, s28  }
0x4d: {  	[spmem:s1] =	stream.indirect.scatter.add.f32 [tilespmem:s28], [sflag:$0x2], $0x10, s29, s19, $0xb8;
	[tilespmem:$0x10500] =	vst v63  }
0x4e: {  	_ = 	snop  }
0x4f: {  	[spmem:s3] =	stream.indirect.scatter.add.f32 [tilespmem:s16], [sflag:$0x2], $0x10, s29, s19, $0xb8;
	[tilespmem:$0x10500] =	vst v63  }
0x50: {  	p1 =	seq.s32 s26, $0x4E  }
.Ltmp6:
0x51: {  	_ = 	snop;
	(pc) =	sbr.rel @p1 .LBB2_8-.Ltmp6, $1  }
0x52: {  	_ =	sdelay $0x3  }
0x53: {  	_ =	swait.ge [sflag:s22], $0x800  }
.Ltmp7:
0x54: {  	[sflag:s22] =	ssyncset.done $0x0;
	(pc) =	sbr.rel .LBB2_7-.Ltmp7, $4  }
0x55: {  	[sflag:s22] =	ssyncadd.s32 $0xFFFFF800  }
0x56: {  	_ =	swait.ge [sflag:s22], $0x800  }
0x57: {  	[sflag:s22] =	ssyncset.done $0x0  }
0x58: {  	[sflag:s22] =	ssyncadd.s32 $0xFFFFF800  }
.LBB2_9:
0x59: {  	_ =	sfence.sel $0x180000  }
0x5a: {  	[bflag:$0x0] =	sbarrier.arrive $0xFFFF  }
0x5b: {  	_ =	strace $0x90000047  }
0x5c: {  	s0 =	sadd.s32 @!p0 $0x100000, s2;
	[bflag:$0x2] =	sbarrier.arrive $0xFFFF  }
0x5d: {  	[sflag:s0] =	ssyncadd.tile.s32 @!p0 $0x1;
	_ =	shalt  }
.Lfunc_end2:
_tile_overlayer_lowered:
.L_overlay_start_2:
0x5e: {  	(tag) =	ssettag $0x2  }
0x5f: {  	s0 =	rddreg [dreg:$0x0];
	s2 =	stileid.u32  }
0x60: {  	s1 =	rddreg [dreg:$0x1];
	p0 =	sne.s32 s2, $0x0  }
0x61: {  	s3 =	rddreg [dreg:$0x2];
	[bflag:$0x3] =	sbarrier.arrive $0xFFFF;
	s2 =	simm.s32 @!p0 $0x1C03  }
0x62: {  	[timem:s3], [sflag:s2] =	dma.local @!p0 [hbm:s0], s1  }
0x63: {  	s0 =	simm.s32 @!p0 $0x3  }
0x64: {  	_ =	swait.ge @!p0 [sflag:s0], s1  }
0x65: {  	s1 =	ssub.s32 @!p0 $0x0, s1;
	[sflag:s0] =	ssyncset.done @!p0 $0x0  }
0x66: {  	[sflag:s0] =	ssyncadd.s32 @!p0 s1  }
0x67: {  	[bflag:$0x3] =	sbarrier.arrive $0xFFFF  }
0x68: {  	_ =	shalt  }

</sc_bundles>
